<compile_context>
chip_gen: v7x
topology: tpu7x:2x2x1
jax: 0.10.2.dev20260603
libtpu: 0.0.44.dev20260713+nightly
codegen_flags: <defaults>
</compile_context>

<pallas_src>
import functools

import jax
import jax.numpy as jnp
from jax import lax
from jax.experimental import pallas as pl
from jax.experimental.pallas import tpu as pltpu
from jax.experimental.pallas import tpu_sc as plsc

NUM_TOKENS = 16
VOCAB = 100000
SPLIT_DIM = 8

NUM_CORES = 2
NUM_SUBCORES = 16
NUM_WORKERS = NUM_CORES * NUM_SUBCORES
LANES = 16

CHUNK = 4096
ADD_UNROLL = 8


def _make_lookup(batch, seq, num_tok, vocab, d):
    n = batch * seq * num_tok
    per_w = n // NUM_WORKERS
    n_chunks = per_w // CHUNK
    assert n % NUM_WORKERS == 0 and per_w % CHUNK == 0
    assert n_chunks % 2 == 1 and n_chunks >= 3

    mesh = plsc.VectorSubcoreMesh(core_axis_name="c", subcore_axis_name="s")

    @functools.partial(
        pl.kernel,
        mesh=mesh,
        compiler_params=pltpu.CompilerParams(use_tc_tiling_on_sc=False),
        out_type=jax.ShapeDtypeStruct((n, d), jnp.float32),
        scratch_types=[
            pltpu.VMEM((CHUNK,), jnp.int32),
            pltpu.VMEM((CHUNK,), jnp.int32),
            pltpu.VMEM((CHUNK, d), jnp.float32),
            pltpu.VMEM((CHUNK, d), jnp.float32),
            pltpu.SemaphoreType.DMA,
            pltpu.SemaphoreType.DMA,
            pltpu.SemaphoreType.DMA,
            pltpu.SemaphoreType.DMA,
        ],
    )
    def lookup(x_2d, tab_3d, out_hbm, idx0, idx1, rows0, rows1,
               sg0, sg1, st0, st1):
        tab_hbm = tab_3d.at[0]
        wid = lax.axis_index("s") * NUM_CORES + lax.axis_index("c")
        base_w = wid * per_w
        chunk_w = wid * n_chunks
        offs = lax.iota(jnp.int32, LANES) * VOCAB

        def load_and_offset(k, idx_v):
            pltpu.sync_copy(x_2d.at[chunk_w + k], idx_v)

            def add_body(j, c):
                for u in range(ADD_UNROLL):
                    sl = pl.ds((j * ADD_UNROLL + u) * LANES, LANES)
                    idx_v[sl] = idx_v[sl] + offs
                return c

            lax.fori_loop(0, CHUNK // (LANES * ADD_UNROLL), add_body, 0)

        def out_at(k):
            return out_hbm.at[pl.ds(base_w + k * CHUNK, CHUNK)]

        def gather(idx_v, rows_v, sem):
            pltpu.async_copy(tab_hbm.at[idx_v], rows_v, sem)

        def wait_gather(idx_v, rows_v, sem):
            pltpu.make_async_copy(tab_hbm.at[idx_v], rows_v, sem).wait()

        def astore(k, rows_v, sem):
            pltpu.async_copy(rows_v, out_at(k), sem)

        def wait_store(k, rows_v, sem):
            pltpu.make_async_copy(rows_v, out_at(k), sem).wait()

        load_and_offset(0, idx0)
        gather(idx0, rows0, sg0)
        load_and_offset(1, idx1)
        gather(idx1, rows1, sg1)

        def pair_body(p, c):
            k0 = 2 * p
            wait_gather(idx0, rows0, sg0)
            astore(k0, rows0, st0)
            load_and_offset(k0 + 2, idx0)
            wait_store(k0, rows0, st0)
            gather(idx0, rows0, sg0)
            wait_gather(idx1, rows1, sg1)
            astore(k0 + 1, rows1, st1)
            load_and_offset(k0 + 3, idx1)
            wait_store(k0 + 1, rows1, st1)
            gather(idx1, rows1, sg1)
            return c

        lax.fori_loop(0, (n_chunks - 3) // 2, pair_body, 0)

        kl = n_chunks - 3
        wait_gather(idx0, rows0, sg0)
        astore(kl, rows0, st0)
        load_and_offset(kl + 2, idx0)
        wait_store(kl, rows0, st0)
        gather(idx0, rows0, sg0)
        wait_gather(idx1, rows1, sg1)
        astore(kl + 1, rows1, st1)
        wait_gather(idx0, rows0, sg0)
        pltpu.sync_copy(rows0, out_at(kl + 2))
        wait_store(kl + 1, rows1, st1)

    return lookup


def kernel(x, tables):
    batch, seq, num_tok = x.shape
    _, vocab, d = tables.shape
    n = batch * seq * num_tok
    x_2d = x.reshape(n // CHUNK, CHUNK)
    out = _make_lookup(batch, seq, num_tok, vocab, d)(x_2d, tables)
    return out.reshape(batch, seq, num_tok * d)

# --- scband reference (transcript-rebuilt; emitter-appended) ---
"""Pipeline reference for scband-multi-embedding-90658169684283 (READ-ONLY COPY).

The authoritative reference and input builder live on the scoring server;
editing this copy changes nothing except your own understanding.
"""

import jax, jax.numpy as jnp
import numpy as np

NUM_TOKENS = 16
VOCAB = 100000
SPLIT_DIM = 8  # embed_dim(128) // num_tokens(16)
BATCH = 4096
SEQ = 50

def setup_inputs(seed: int = 0) -> dict:
    key = jax.random.key(seed)
    k_idx, k_tab = jax.random.split(key)
    x = jax.random.randint(k_idx, (BATCH, SEQ, NUM_TOKENS), 0, VOCAB, dtype=jnp.int32)
    # one embedding table per token position, stacked: [num_tokens, vocab, split_dim]
    tables = jax.random.normal(k_tab, (NUM_TOKENS, VOCAB, SPLIT_DIM), dtype=jnp.float32)
    return {"x": x, "tables": tables}

def reference(x, tables):
    # Faithful translation of MultiEmbedding.forward for input_type='int':
    # per-token embedding lookup, stack along a new token axis, then flatten
    # (batch, seq, num_tokens, split_dim) -> (batch, seq, embed_dim)
    batch_size, seq_len, stacked_dim = x.shape
    embeddings = jnp.stack(
        [jnp.take(tables[i], x[:, :, i], axis=0) for i in range(NUM_TOKENS)],
        axis=2,
    )
    embeddings = embeddings.reshape(batch_size, seq_len, -1)
    return embeddings

if __name__ == "__main__":
    import jax
    _d = setup_inputs()
    print(jax.jit(kernel)(*tuple(_d.values())))

</pallas_src>

<mosaic_0001>
#map = affine_map<(d0, d1) -> (0, 0)>
#map1 = affine_map<(d0, d1) -> (0, 0, 0)>
module attributes {stable_mosaic.version = 14 : i64} {
  func.func @lookup(%arg0: i32, %arg1: i32, %arg2: memref<800x4096xi32, #tpu.memory_space<hbm>>, %arg3: memref<16x100000x8xf32, #tpu.memory_space<hbm>>, %arg4: memref<3276800x8xf32, #tpu.memory_space<hbm>>, %arg5: memref<4096xi32, #tpu.memory_space<vmem>>, %arg6: memref<4096xi32, #tpu.memory_space<vmem>>, %arg7: memref<4096x8xf32, #tpu.memory_space<vmem>>, %arg8: memref<4096x8xf32, #tpu.memory_space<vmem>>, %arg9: memref<!tpu.dma_semaphore, #tpu.memory_space<semaphore_mem>>, %arg10: memref<!tpu.dma_semaphore, #tpu.memory_space<semaphore_mem>>, %arg11: memref<!tpu.dma_semaphore, #tpu.memory_space<semaphore_mem>>, %arg12: memref<!tpu.dma_semaphore, #tpu.memory_space<semaphore_mem>>) attributes {dimension_semantics = [#tpu.dimension_semantics<core_parallel>, #tpu.dimension_semantics<subcore_parallel>], iteration_bounds = array<i64: 2, 16>, scalar_prefetch = 0 : i64, scratch_operands = 8 : i64, tpu.core_type = #tpu.core_type<sc_vector_subcore>, window_params = [{transform_indices = #map}, {transform_indices = #map1}, {transform_indices = #map}]} {
    %mul3A = arith.constant 2 : i32
    %mul3A_0 = arith.muli %arg1, %mul3A : i32
    %add3A = arith.addi %mul3A_0, %arg0 : i32
    %mul3A_1 = arith.constant 102400 : i32
    %mul3A_2 = arith.muli %add3A, %mul3A_1 : i32
    %mul3A_3 = arith.constant 25 : i32
    %mul3A_4 = arith.muli %add3A, %mul3A_3 : i32
    %iota3A = tpu.iota {dimensions = array<i32: 0>} : vector<16xi32>
    %mul3A_5 = arith.constant 100000 : i32
    %mul3A_6 = vector.broadcast %mul3A_5 : i32 to vector<16xi32>
    %mul3A_7 = arith.muli %iota3A, %mul3A_6 : vector<16xi32>
    %add3A_8 = arith.constant 0 : i32
    %add3A_9 = arith.addi %mul3A_4, %add3A_8 : i32
    "tpu.region"() ({
      %run_scoped3A = tpu.sem_alloc : memref<!tpu.dma_semaphore, #tpu.memory_space<semaphore_mem>>
      %dma_start3A_110 = arith.constant 0 : i32
      %dma_start3A_111 = tpu.memref_slice %arg2[%add3A_9, %dma_start3A_110] : memref<800x4096xi32, #tpu.memory_space<hbm>> -> memref<1x4096xi32, #tpu.memory_space<hbm>>
      %dma_start3A_112 = tpu.memref_squeeze %dma_start3A_111 : memref<1x4096xi32, #tpu.memory_space<hbm>> -> memref<4096xi32, #tpu.memory_space<hbm>>
      %dma_start3A_113 = arith.constant 0 : i32
      %dma_start3A_114 = tpu.memref_slice %arg2[%add3A_9, %dma_start3A_113] : memref<800x4096xi32, #tpu.memory_space<hbm>> -> memref<1x4096xi32, #tpu.memory_space<hbm>>
      %dma_start3A_115 = tpu.memref_squeeze %dma_start3A_114 : memref<1x4096xi32, #tpu.memory_space<hbm>> -> memref<4096xi32, #tpu.memory_space<hbm>>
      tpu.enqueue_dma source(%dma_start3A_115 : memref<4096xi32, #tpu.memory_space<hbm>>) target(%arg5 : memref<4096xi32, #tpu.memory_space<vmem>>) target_semaphore(%run_scoped3A : memref<!tpu.dma_semaphore, #tpu.memory_space<semaphore_mem>>)
      %dma_wait3A_116 = arith.constant 0 : i32
      %dma_wait3A_117 = tpu.memref_slice %arg2[%add3A_9, %dma_wait3A_116] : memref<800x4096xi32, #tpu.memory_space<hbm>> -> memref<1x4096xi32, #tpu.memory_space<hbm>>
      %dma_wait3A_118 = tpu.memref_squeeze %dma_wait3A_117 : memref<1x4096xi32, #tpu.memory_space<hbm>> -> memref<4096xi32, #tpu.memory_space<hbm>>
      %dma_wait3A_119 = arith.constant 0 : i32
      %dma_wait3A_120 = tpu.memref_slice %arg2[%add3A_9, %dma_wait3A_119] : memref<800x4096xi32, #tpu.memory_space<hbm>> -> memref<1x4096xi32, #tpu.memory_space<hbm>>
      %dma_wait3A_121 = tpu.memref_squeeze %dma_wait3A_120 : memref<1x4096xi32, #tpu.memory_space<hbm>> -> memref<4096xi32, #tpu.memory_space<hbm>>
      tpu.wait_dma2 semaphore(%run_scoped3A : memref<!tpu.dma_semaphore, #tpu.memory_space<semaphore_mem>>) src(%dma_wait3A_121 : memref<4096xi32, #tpu.memory_space<hbm>>) dst(%arg5 : memref<4096xi32, #tpu.memory_space<vmem>>)
      tpu.yield
    }) : () -> ()
    %scan3A = arith.constant 0 : i32
    %scan3A_10 = arith.constant 0 : i32
    %scan3A_11 = arith.constant 32 : i32
    %scan3A_12 = arith.addi %scan3A_10, %scan3A_11 : i32
    %scan3A_13 = arith.constant 1 : i32
    scf.for %scan3A_110 = %scan3A_10 to %scan3A_12 step %scan3A_13  : i32 {
      %mul3A_111 = arith.constant 8 : i32
      %mul3A_112 = arith.muli %scan3A_110, %mul3A_111 : i32
      %add3A_113 = arith.constant 0 : i32
      %add3A_114 = arith.addi %mul3A_112, %add3A_113 : i32
      %mul3A_115 = arith.constant 16 : i32
      %mul3A_116 = arith.muli %add3A_114, %mul3A_115 : i32
      %get3A = arith.index_cast %mul3A_116 : i32 to index
      %get3A_117 = tpu.vector_load %arg5[%get3A] {strides = array<i32>} : memref<4096xi32, #tpu.memory_space<vmem>>, vector<16xi32>,
      %get3A_118 = vector.shape_cast %get3A_117 : vector<16xi32> to vector<16xi32>
      %add3A_119 = arith.addi %get3A_118, %mul3A_7 : vector<16xi32>
      %swap3A = arith.index_cast %mul3A_116 : i32 to index
      %swap3A_120 = tpu.vector_load %arg5[%swap3A] {strides = array<i32>} : memref<4096xi32, #tpu.memory_space<vmem>>, vector<16xi32>,
      %swap3A_121 = vector.shape_cast %swap3A_120 : vector<16xi32> to vector<16xi32>
      %swap3A_122 = vector.shape_cast %add3A_119 : vector<16xi32> to vector<16xi32>
      tpu.vector_store %arg5[%swap3A], %swap3A_122 {strides = array<i32>} : memref<4096xi32, #tpu.memory_space<vmem>>, vector<16xi32>,
      %mul3A_123 = arith.constant 8 : i32
      %mul3A_124 = arith.muli %scan3A_110, %mul3A_123 : i32
      %add3A_125 = arith.constant 1 : i32
      %add3A_126 = arith.addi %mul3A_124, %add3A_125 : i32
      %mul3A_127 = arith.constant 16 : i32
      %mul3A_128 = arith.muli %add3A_126, %mul3A_127 : i32
      %get3A_129 = arith.index_cast %mul3A_128 : i32 to index
      %get3A_130 = tpu.vector_load %arg5[%get3A_129] {strides = array<i32>} : memref<4096xi32, #tpu.memory_space<vmem>>, vector<16xi32>,
      %get3A_131 = vector.shape_cast %get3A_130 : vector<16xi32> to vector<16xi32>
      %add3A_132 = arith.addi %get3A_131, %mul3A_7 : vector<16xi32>
      %swap3A_133 = arith.index_cast %mul3A_128 : i32 to index
      %swap3A_134 = tpu.vector_load %arg5[%swap3A_133] {strides = array<i32>} : memref<4096xi32, #tpu.memory_space<vmem>>, vector<16xi32>,
      %swap3A_135 = vector.shape_cast %swap3A_134 : vector<16xi32> to vector<16xi32>
      %swap3A_136 = vector.shape_cast %add3A_132 : vector<16xi32> to vector<16xi32>
      tpu.vector_store %arg5[%swap3A_133], %swap3A_136 {strides = array<i32>} : memref<4096xi32, #tpu.memory_space<vmem>>, vector<16xi32>,
      %mul3A_137 = arith.constant 8 : i32
      %mul3A_138 = arith.muli %scan3A_110, %mul3A_137 : i32
      %add3A_139 = arith.constant 2 : i32
      %add3A_140 = arith.addi %mul3A_138, %add3A_139 : i32
      %mul3A_141 = arith.constant 16 : i32
      %mul3A_142 = arith.muli %add3A_140, %mul3A_141 : i32
      %get3A_143 = arith.index_cast %mul3A_142 : i32 to index
      %get3A_144 = tpu.vector_load %arg5[%get3A_143] {strides = array<i32>} : memref<4096xi32, #tpu.memory_space<vmem>>, vector<16xi32>,
      %get3A_145 = vector.shape_cast %get3A_144 : vector<16xi32> to vector<16xi32>
      %add3A_146 = arith.addi %get3A_145, %mul3A_7 : vector<16xi32>
      %swap3A_147 = arith.index_cast %mul3A_142 : i32 to index
      %swap3A_148 = tpu.vector_load %arg5[%swap3A_147] {strides = array<i32>} : memref<4096xi32, #tpu.memory_space<vmem>>, vector<16xi32>,
      %swap3A_149 = vector.shape_cast %swap3A_148 : vector<16xi32> to vector<16xi32>
      %swap3A_150 = vector.shape_cast %add3A_146 : vector<16xi32> to vector<16xi32>
      tpu.vector_store %arg5[%swap3A_147], %swap3A_150 {strides = array<i32>} : memref<4096xi32, #tpu.memory_space<vmem>>, vector<16xi32>,
      %mul3A_151 = arith.constant 8 : i32
      %mul3A_152 = arith.muli %scan3A_110, %mul3A_151 : i32
      %add3A_153 = arith.constant 3 : i32
      %add3A_154 = arith.addi %mul3A_152, %add3A_153 : i32
      %mul3A_155 = arith.constant 16 : i32
      %mul3A_156 = arith.muli %add3A_154, %mul3A_155 : i32
      %get3A_157 = arith.index_cast %mul3A_156 : i32 to index
      %get3A_158 = tpu.vector_load %arg5[%get3A_157] {strides = array<i32>} : memref<4096xi32, #tpu.memory_space<vmem>>, vector<16xi32>,
      %get3A_159 = vector.shape_cast %get3A_158 : vector<16xi32> to vector<16xi32>
      %add3A_160 = arith.addi %get3A_159, %mul3A_7 : vector<16xi32>
      %swap3A_161 = arith.index_cast %mul3A_156 : i32 to index
      %swap3A_162 = tpu.vector_load %arg5[%swap3A_161] {strides = array<i32>} : memref<4096xi32, #tpu.memory_space<vmem>>, vector<16xi32>,
      %swap3A_163 = vector.shape_cast %swap3A_162 : vector<16xi32> to vector<16xi32>
      %swap3A_164 = vector.shape_cast %add3A_160 : vector<16xi32> to vector<16xi32>
      tpu.vector_store %arg5[%swap3A_161], %swap3A_164 {strides = array<i32>} : memref<4096xi32, #tpu.memory_space<vmem>>, vector<16xi32>,
      %mul3A_165 = arith.constant 8 : i32
      %mul3A_166 = arith.muli %scan3A_110, %mul3A_165 : i32
      %add3A_167 = arith.constant 4 : i32
      %add3A_168 = arith.addi %mul3A_166, %add3A_167 : i32
      %mul3A_169 = arith.constant 16 : i32
      %mul3A_170 = arith.muli %add3A_168, %mul3A_169 : i32
      %get3A_171 = arith.index_cast %mul3A_170 : i32 to index
      %get3A_172 = tpu.vector_load %arg5[%get3A_171] {strides = array<i32>} : memref<4096xi32, #tpu.memory_space<vmem>>, vector<16xi32>,
      %get3A_173 = vector.shape_cast %get3A_172 : vector<16xi32> to vector<16xi32>
      %add3A_174 = arith.addi %get3A_173, %mul3A_7 : vector<16xi32>
      %swap3A_175 = arith.index_cast %mul3A_170 : i32 to index
      %swap3A_176 = tpu.vector_load %arg5[%swap3A_175] {strides = array<i32>} : memref<4096xi32, #tpu.memory_space<vmem>>, vector<16xi32>,
      %swap3A_177 = vector.shape_cast %swap3A_176 : vector<16xi32> to vector<16xi32>
      %swap3A_178 = vector.shape_cast %add3A_174 : vector<16xi32> to vector<16xi32>
      tpu.vector_store %arg5[%swap3A_175], %swap3A_178 {strides = array<i32>} : memref<4096xi32, #tpu.memory_space<vmem>>, vector<16xi32>,
      %mul3A_179 = arith.constant 8 : i32
      %mul3A_180 = arith.muli %scan3A_110, %mul3A_179 : i32
      %add3A_181 = arith.constant 5 : i32
      %add3A_182 = arith.addi %mul3A_180, %add3A_181 : i32
      %mul3A_183 = arith.constant 16 : i32
      %mul3A_184 = arith.muli %add3A_182, %mul3A_183 : i32
      %get3A_185 = arith.index_cast %mul3A_184 : i32 to index
      %get3A_186 = tpu.vector_load %arg5[%get3A_185] {strides = array<i32>} : memref<4096xi32, #tpu.memory_space<vmem>>, vector<16xi32>,
      %get3A_187 = vector.shape_cast %get3A_186 : vector<16xi32> to vector<16xi32>
      %add3A_188 = arith.addi %get3A_187, %mul3A_7 : vector<16xi32>
      %swap3A_189 = arith.index_cast %mul3A_184 : i32 to index
      %swap3A_190 = tpu.vector_load %arg5[%swap3A_189] {strides = array<i32>} : memref<4096xi32, #tpu.memory_space<vmem>>, vector<16xi32>,
      %swap3A_191 = vector.shape_cast %swap3A_190 : vector<16xi32> to vector<16xi32>
      %swap3A_192 = vector.shape_cast %add3A_188 : vector<16xi32> to vector<16xi32>
      tpu.vector_store %arg5[%swap3A_189], %swap3A_192 {strides = array<i32>} : memref<4096xi32, #tpu.memory_space<vmem>>, vector<16xi32>,
      %mul3A_193 = arith.constant 8 : i32
      %mul3A_194 = arith.muli %scan3A_110, %mul3A_193 : i32
      %add3A_195 = arith.constant 6 : i32
      %add3A_196 = arith.addi %mul3A_194, %add3A_195 : i32
      %mul3A_197 = arith.constant 16 : i32
      %mul3A_198 = arith.muli %add3A_196, %mul3A_197 : i32
      %get3A_199 = arith.index_cast %mul3A_198 : i32 to index
      %get3A_200 = tpu.vector_load %arg5[%get3A_199] {strides = array<i32>} : memref<4096xi32, #tpu.memory_space<vmem>>, vector<16xi32>,
      %get3A_201 = vector.shape_cast %get3A_200 : vector<16xi32> to vector<16xi32>
      %add3A_202 = arith.addi %get3A_201, %mul3A_7 : vector<16xi32>
      %swap3A_203 = arith.index_cast %mul3A_198 : i32 to index
      %swap3A_204 = tpu.vector_load %arg5[%swap3A_203] {strides = array<i32>} : memref<4096xi32, #tpu.memory_space<vmem>>, vector<16xi32>,
      %swap3A_205 = vector.shape_cast %swap3A_204 : vector<16xi32> to vector<16xi32>
      %swap3A_206 = vector.shape_cast %add3A_202 : vector<16xi32> to vector<16xi32>
      tpu.vector_store %arg5[%swap3A_203], %swap3A_206 {strides = array<i32>} : memref<4096xi32, #tpu.memory_space<vmem>>, vector<16xi32>,
      %mul3A_207 = arith.constant 8 : i32
      %mul3A_208 = arith.muli %scan3A_110, %mul3A_207 : i32
      %add3A_209 = arith.constant 7 : i32
      %add3A_210 = arith.addi %mul3A_208, %add3A_209 : i32
      %mul3A_211 = arith.constant 16 : i32
      %mul3A_212 = arith.muli %add3A_210, %mul3A_211 : i32
      %get3A_213 = arith.index_cast %mul3A_212 : i32 to index
      %get3A_214 = tpu.vector_load %arg5[%get3A_213] {strides = array<i32>} : memref<4096xi32, #tpu.memory_space<vmem>>, vector<16xi32>,
      %get3A_215 = vector.shape_cast %get3A_214 : vector<16xi32> to vector<16xi32>
      %add3A_216 = arith.addi %get3A_215, %mul3A_7 : vector<16xi32>
      %swap3A_217 = arith.index_cast %mul3A_212 : i32 to index
      %swap3A_218 = tpu.vector_load %arg5[%swap3A_217] {strides = array<i32>} : memref<4096xi32, #tpu.memory_space<vmem>>, vector<16xi32>,
      %swap3A_219 = vector.shape_cast %swap3A_218 : vector<16xi32> to vector<16xi32>
      %swap3A_220 = vector.shape_cast %add3A_216 : vector<16xi32> to vector<16xi32>
      tpu.vector_store %arg5[%swap3A_217], %swap3A_220 {strides = array<i32>} : memref<4096xi32, #tpu.memory_space<vmem>>, vector<16xi32>,
    }
    %scan3A_14 = arith.constant 32 : i32
    %dma_start3A = arith.constant 0 : i32
    %dma_start3A_15 = arith.constant 0 : i32
    %dma_start3A_16 = arith.constant 0 : i32
    %dma_start3A_17 = tpu.memref_slice %arg3[%dma_start3A, %dma_start3A_15, %dma_start3A_16] : memref<16x100000x8xf32, #tpu.memory_space<hbm>> -> memref<1x100000x8xf32, #tpu.memory_space<hbm>>
    %dma_start3A_18 = tpu.memref_squeeze %dma_start3A_17 : memref<1x100000x8xf32, #tpu.memory_space<hbm>> -> memref<100000x8xf32, #tpu.memory_space<hbm>>
    %dma_start3A_19 = arith.constant 0 : i32
    %dma_start3A_20 = arith.constant 0 : i32
    %dma_start3A_21 = tpu.memref_slice %dma_start3A_18[%dma_start3A_19, %dma_start3A_20] : memref<100000x8xf32, #tpu.memory_space<hbm>> -> memref<100000x8xf32, #tpu.memory_space<hbm>>
    tpu.enqueue_indirect_dma source(%dma_start3A_21 : memref<100000x8xf32, #tpu.memory_space<hbm>>) target(%arg7 : memref<4096x8xf32, #tpu.memory_space<vmem>>) offsets(%arg5 : memref<4096xi32, #tpu.memory_space<vmem>>) semaphore(%arg9 : memref<!tpu.dma_semaphore, #tpu.memory_space<semaphore_mem>>)
    %add3A_22 = arith.constant 1 : i32
    %add3A_23 = arith.addi %mul3A_4, %add3A_22 : i32
    "tpu.region"() ({
      %run_scoped3A = tpu.sem_alloc : memref<!tpu.dma_semaphore, #tpu.memory_space<semaphore_mem>>
      %dma_start3A_110 = arith.constant 0 : i32
      %dma_start3A_111 = tpu.memref_slice %arg2[%add3A_23, %dma_start3A_110] : memref<800x4096xi32, #tpu.memory_space<hbm>> -> memref<1x4096xi32, #tpu.memory_space<hbm>>
      %dma_start3A_112 = tpu.memref_squeeze %dma_start3A_111 : memref<1x4096xi32, #tpu.memory_space<hbm>> -> memref<4096xi32, #tpu.memory_space<hbm>>
      %dma_start3A_113 = arith.constant 0 : i32
      %dma_start3A_114 = tpu.memref_slice %arg2[%add3A_23, %dma_start3A_113] : memref<800x4096xi32, #tpu.memory_space<hbm>> -> memref<1x4096xi32, #tpu.memory_space<hbm>>
      %dma_start3A_115 = tpu.memref_squeeze %dma_start3A_114 : memref<1x4096xi32, #tpu.memory_space<hbm>> -> memref<4096xi32, #tpu.memory_space<hbm>>
      tpu.enqueue_dma source(%dma_start3A_115 : memref<4096xi32, #tpu.memory_space<hbm>>) target(%arg6 : memref<4096xi32, #tpu.memory_space<vmem>>) target_semaphore(%run_scoped3A : memref<!tpu.dma_semaphore, #tpu.memory_space<semaphore_mem>>)
      %dma_wait3A_116 = arith.constant 0 : i32
      %dma_wait3A_117 = tpu.memref_slice %arg2[%add3A_23, %dma_wait3A_116] : memref<800x4096xi32, #tpu.memory_space<hbm>> -> memref<1x4096xi32, #tpu.memory_space<hbm>>
      %dma_wait3A_118 = tpu.memref_squeeze %dma_wait3A_117 : memref<1x4096xi32, #tpu.memory_space<hbm>> -> memref<4096xi32, #tpu.memory_space<hbm>>
      %dma_wait3A_119 = arith.constant 0 : i32
      %dma_wait3A_120 = tpu.memref_slice %arg2[%add3A_23, %dma_wait3A_119] : memref<800x4096xi32, #tpu.memory_space<hbm>> -> memref<1x4096xi32, #tpu.memory_space<hbm>>
      %dma_wait3A_121 = tpu.memref_squeeze %dma_wait3A_120 : memref<1x4096xi32, #tpu.memory_space<hbm>> -> memref<4096xi32, #tpu.memory_space<hbm>>
      tpu.wait_dma2 semaphore(%run_scoped3A : memref<!tpu.dma_semaphore, #tpu.memory_space<semaphore_mem>>) src(%dma_wait3A_121 : memref<4096xi32, #tpu.memory_space<hbm>>) dst(%arg6 : memref<4096xi32, #tpu.memory_space<vmem>>)
      tpu.yield
    }) : () -> ()
    %scan3A_24 = arith.constant 0 : i32
    %scan3A_25 = arith.constant 0 : i32
    %scan3A_26 = arith.constant 32 : i32
    %scan3A_27 = arith.addi %scan3A_25, %scan3A_26 : i32
    %scan3A_28 = arith.constant 1 : i32
    scf.for %scan3A_110 = %scan3A_25 to %scan3A_27 step %scan3A_28  : i32 {
      %mul3A_111 = arith.constant 8 : i32
      %mul3A_112 = arith.muli %scan3A_110, %mul3A_111 : i32
      %add3A_113 = arith.constant 0 : i32
      %add3A_114 = arith.addi %mul3A_112, %add3A_113 : i32
      %mul3A_115 = arith.constant 16 : i32
      %mul3A_116 = arith.muli %add3A_114, %mul3A_115 : i32
      %get3A = arith.index_cast %mul3A_116 : i32 to index
      %get3A_117 = tpu.vector_load %arg6[%get3A] {strides = array<i32>} : memref<4096xi32, #tpu.memory_space<vmem>>, vector<16xi32>,
      %get3A_118 = vector.shape_cast %get3A_117 : vector<16xi32> to vector<16xi32>
      %add3A_119 = arith.addi %get3A_118, %mul3A_7 : vector<16xi32>
      %swap3A = arith.index_cast %mul3A_116 : i32 to index
      %swap3A_120 = tpu.vector_load %arg6[%swap3A] {strides = array<i32>} : memref<4096xi32, #tpu.memory_space<vmem>>, vector<16xi32>,
      %swap3A_121 = vector.shape_cast %swap3A_120 : vector<16xi32> to vector<16xi32>
      %swap3A_122 = vector.shape_cast %add3A_119 : vector<16xi32> to vector<16xi32>
      tpu.vector_store %arg6[%swap3A], %swap3A_122 {strides = array<i32>} : memref<4096xi32, #tpu.memory_space<vmem>>, vector<16xi32>,
      %mul3A_123 = arith.constant 8 : i32
      %mul3A_124 = arith.muli %scan3A_110, %mul3A_123 : i32
      %add3A_125 = arith.constant 1 : i32
      %add3A_126 = arith.addi %mul3A_124, %add3A_125 : i32
      %mul3A_127 = arith.constant 16 : i32
      %mul3A_128 = arith.muli %add3A_126, %mul3A_127 : i32
      %get3A_129 = arith.index_cast %mul3A_128 : i32 to index
      %get3A_130 = tpu.vector_load %arg6[%get3A_129] {strides = array<i32>} : memref<4096xi32, #tpu.memory_space<vmem>>, vector<16xi32>,
      %get3A_131 = vector.shape_cast %get3A_130 : vector<16xi32> to vector<16xi32>
      %add3A_132 = arith.addi %get3A_131, %mul3A_7 : vector<16xi32>
      %swap3A_133 = arith.index_cast %mul3A_128 : i32 to index
      %swap3A_134 = tpu.vector_load %arg6[%swap3A_133] {strides = array<i32>} : memref<4096xi32, #tpu.memory_space<vmem>>, vector<16xi32>,
      %swap3A_135 = vector.shape_cast %swap3A_134 : vector<16xi32> to vector<16xi32>
      %swap3A_136 = vector.shape_cast %add3A_132 : vector<16xi32> to vector<16xi32>
      tpu.vector_store %arg6[%swap3A_133], %swap3A_136 {strides = array<i32>} : memref<4096xi32, #tpu.memory_space<vmem>>, vector<16xi32>,
      %mul3A_137 = arith.constant 8 : i32
      %mul3A_138 = arith.muli %scan3A_110, %mul3A_137 : i32
      %add3A_139 = arith.constant 2 : i32
      %add3A_140 = arith.addi %mul3A_138, %add3A_139 : i32
      %mul3A_141 = arith.constant 16 : i32
      %mul3A_142 = arith.muli %add3A_140, %mul3A_141 : i32
      %get3A_143 = arith.index_cast %mul3A_142 : i32 to index
      %get3A_144 = tpu.vector_load %arg6[%get3A_143] {strides = array<i32>} : memref<4096xi32, #tpu.memory_space<vmem>>, vector<16xi32>,
      %get3A_145 = vector.shape_cast %get3A_144 : vector<16xi32> to vector<16xi32>
      %add3A_146 = arith.addi %get3A_145, %mul3A_7 : vector<16xi32>
      %swap3A_147 = arith.index_cast %mul3A_142 : i32 to index
      %swap3A_148 = tpu.vector_load %arg6[%swap3A_147] {strides = array<i32>} : memref<4096xi32, #tpu.memory_space<vmem>>, vector<16xi32>,
      %swap3A_149 = vector.shape_cast %swap3A_148 : vector<16xi32> to vector<16xi32>
      %swap3A_150 = vector.shape_cast %add3A_146 : vector<16xi32> to vector<16xi32>
      tpu.vector_store %arg6[%swap3A_147], %swap3A_150 {strides = array<i32>} : memref<4096xi32, #tpu.memory_space<vmem>>, vector<16xi32>,
      %mul3A_151 = arith.constant 8 : i32
      %mul3A_152 = arith.muli %scan3A_110, %mul3A_151 : i32
      %add3A_153 = arith.constant 3 : i32
      %add3A_154 = arith.addi %mul3A_152, %add3A_153 : i32
      %mul3A_155 = arith.constant 16 : i32
      %mul3A_156 = arith.muli %add3A_154, %mul3A_155 : i32
      %get3A_157 = arith.index_cast %mul3A_156 : i32 to index
      %get3A_158 = tpu.vector_load %arg6[%get3A_157] {strides = array<i32>} : memref<4096xi32, #tpu.memory_space<vmem>>, vector<16xi32>,
      %get3A_159 = vector.shape_cast %get3A_158 : vector<16xi32> to vector<16xi32>
      %add3A_160 = arith.addi %get3A_159, %mul3A_7 : vector<16xi32>
      %swap3A_161 = arith.index_cast %mul3A_156 : i32 to index
      %swap3A_162 = tpu.vector_load %arg6[%swap3A_161] {strides = array<i32>} : memref<4096xi32, #tpu.memory_space<vmem>>, vector<16xi32>,
      %swap3A_163 = vector.shape_cast %swap3A_162 : vector<16xi32> to vector<16xi32>
      %swap3A_164 = vector.shape_cast %add3A_160 : vector<16xi32> to vector<16xi32>
      tpu.vector_store %arg6[%swap3A_161], %swap3A_164 {strides = array<i32>} : memref<4096xi32, #tpu.memory_space<vmem>>, vector<16xi32>,
      %mul3A_165 = arith.constant 8 : i32
      %mul3A_166 = arith.muli %scan3A_110, %mul3A_165 : i32
      %add3A_167 = arith.constant 4 : i32
      %add3A_168 = arith.addi %mul3A_166, %add3A_167 : i32
      %mul3A_169 = arith.constant 16 : i32
      %mul3A_170 = arith.muli %add3A_168, %mul3A_169 : i32
      %get3A_171 = arith.index_cast %mul3A_170 : i32 to index
      %get3A_172 = tpu.vector_load %arg6[%get3A_171] {strides = array<i32>} : memref<4096xi32, #tpu.memory_space<vmem>>, vector<16xi32>,
      %get3A_173 = vector.shape_cast %get3A_172 : vector<16xi32> to vector<16xi32>
      %add3A_174 = arith.addi %get3A_173, %mul3A_7 : vector<16xi32>
      %swap3A_175 = arith.index_cast %mul3A_170 : i32 to index
      %swap3A_176 = tpu.vector_load %arg6[%swap3A_175] {strides = array<i32>} : memref<4096xi32, #tpu.memory_space<vmem>>, vector<16xi32>,
      %swap3A_177 = vector.shape_cast %swap3A_176 : vector<16xi32> to vector<16xi32>
      %swap3A_178 = vector.shape_cast %add3A_174 : vector<16xi32> to vector<16xi32>
      tpu.vector_store %arg6[%swap3A_175], %swap3A_178 {strides = array<i32>} : memref<4096xi32, #tpu.memory_space<vmem>>, vector<16xi32>,
      %mul3A_179 = arith.constant 8 : i32
      %mul3A_180 = arith.muli %scan3A_110, %mul3A_179 : i32
      %add3A_181 = arith.constant 5 : i32
      %add3A_182 = arith.addi %mul3A_180, %add3A_181 : i32
      %mul3A_183 = arith.constant 16 : i32
      %mul3A_184 = arith.muli %add3A_182, %mul3A_183 : i32
      %get3A_185 = arith.index_cast %mul3A_184 : i32 to index
      %get3A_186 = tpu.vector_load %arg6[%get3A_185] {strides = array<i32>} : memref<4096xi32, #tpu.memory_space<vmem>>, vector<16xi32>,
      %get3A_187 = vector.shape_cast %get3A_186 : vector<16xi32> to vector<16xi32>
      %add3A_188 = arith.addi %get3A_187, %mul3A_7 : vector<16xi32>
      %swap3A_189 = arith.index_cast %mul3A_184 : i32 to index
      %swap3A_190 = tpu.vector_load %arg6[%swap3A_189] {strides = array<i32>} : memref<4096xi32, #tpu.memory_space<vmem>>, vector<16xi32>,
      %swap3A_191 = vector.shape_cast %swap3A_190 : vector<16xi32> to vector<16xi32>
      %swap3A_192 = vector.shape_cast %add3A_188 : vector<16xi32> to vector<16xi32>
      tpu.vector_store %arg6[%swap3A_189], %swap3A_192 {strides = array<i32>} : memref<4096xi32, #tpu.memory_space<vmem>>, vector<16xi32>,
      %mul3A_193 = arith.constant 8 : i32
      %mul3A_194 = arith.muli %scan3A_110, %mul3A_193 : i32
      %add3A_195 = arith.constant 6 : i32
      %add3A_196 = arith.addi %mul3A_194, %add3A_195 : i32
      %mul3A_197 = arith.constant 16 : i32
      %mul3A_198 = arith.muli %add3A_196, %mul3A_197 : i32
      %get3A_199 = arith.index_cast %mul3A_198 : i32 to index
      %get3A_200 = tpu.vector_load %arg6[%get3A_199] {strides = array<i32>} : memref<4096xi32, #tpu.memory_space<vmem>>, vector<16xi32>,
      %get3A_201 = vector.shape_cast %get3A_200 : vector<16xi32> to vector<16xi32>
      %add3A_202 = arith.addi %get3A_201, %mul3A_7 : vector<16xi32>
      %swap3A_203 = arith.index_cast %mul3A_198 : i32 to index
      %swap3A_204 = tpu.vector_load %arg6[%swap3A_203] {strides = array<i32>} : memref<4096xi32, #tpu.memory_space<vmem>>, vector<16xi32>,
      %swap3A_205 = vector.shape_cast %swap3A_204 : vector<16xi32> to vector<16xi32>
      %swap3A_206 = vector.shape_cast %add3A_202 : vector<16xi32> to vector<16xi32>
      tpu.vector_store %arg6[%swap3A_203], %swap3A_206 {strides = array<i32>} : memref<4096xi32, #tpu.memory_space<vmem>>, vector<16xi32>,
      %mul3A_207 = arith.constant 8 : i32
      %mul3A_208 = arith.muli %scan3A_110, %mul3A_207 : i32
      %add3A_209 = arith.constant 7 : i32
      %add3A_210 = arith.addi %mul3A_208, %add3A_209 : i32
      %mul3A_211 = arith.constant 16 : i32
      %mul3A_212 = arith.muli %add3A_210, %mul3A_211 : i32
      %get3A_213 = arith.index_cast %mul3A_212 : i32 to index
      %get3A_214 = tpu.vector_load %arg6[%get3A_213] {strides = array<i32>} : memref<4096xi32, #tpu.memory_space<vmem>>, vector<16xi32>,
      %get3A_215 = vector.shape_cast %get3A_214 : vector<16xi32> to vector<16xi32>
      %add3A_216 = arith.addi %get3A_215, %mul3A_7 : vector<16xi32>
      %swap3A_217 = arith.index_cast %mul3A_212 : i32 to index
      %swap3A_218 = tpu.vector_load %arg6[%swap3A_217] {strides = array<i32>} : memref<4096xi32, #tpu.memory_space<vmem>>, vector<16xi32>,
      %swap3A_219 = vector.shape_cast %swap3A_218 : vector<16xi32> to vector<16xi32>
      %swap3A_220 = vector.shape_cast %add3A_216 : vector<16xi32> to vector<16xi32>
      tpu.vector_store %arg6[%swap3A_217], %swap3A_220 {strides = array<i32>} : memref<4096xi32, #tpu.memory_space<vmem>>, vector<16xi32>,
    }
    %scan3A_29 = arith.constant 32 : i32
    %dma_start3A_30 = arith.constant 0 : i32
    %dma_start3A_31 = arith.constant 0 : i32
    %dma_start3A_32 = arith.constant 0 : i32
    %dma_start3A_33 = tpu.memref_slice %arg3[%dma_start3A_30, %dma_start3A_31, %dma_start3A_32] : memref<16x100000x8xf32, #tpu.memory_space<hbm>> -> memref<1x100000x8xf32, #tpu.memory_space<hbm>>
    %dma_start3A_34 = tpu.memref_squeeze %dma_start3A_33 : memref<1x100000x8xf32, #tpu.memory_space<hbm>> -> memref<100000x8xf32, #tpu.memory_space<hbm>>
    %dma_start3A_35 = arith.constant 0 : i32
    %dma_start3A_36 = arith.constant 0 : i32
    %dma_start3A_37 = tpu.memref_slice %dma_start3A_34[%dma_start3A_35, %dma_start3A_36] : memref<100000x8xf32, #tpu.memory_space<hbm>> -> memref<100000x8xf32, #tpu.memory_space<hbm>>
    tpu.enqueue_indirect_dma source(%dma_start3A_37 : memref<100000x8xf32, #tpu.memory_space<hbm>>) target(%arg8 : memref<4096x8xf32, #tpu.memory_space<vmem>>) offsets(%arg6 : memref<4096xi32, #tpu.memory_space<vmem>>) semaphore(%arg10 : memref<!tpu.dma_semaphore, #tpu.memory_space<semaphore_mem>>)
    %scan3A_38 = arith.constant 0 : i32
    %scan3A_39 = arith.constant 0 : i32
    %scan3A_40 = arith.constant 0 : i32
    %scan3A_41 = arith.constant 11 : i32
    %scan3A_42 = arith.addi %scan3A_40, %scan3A_41 : i32
    %scan3A_43 = arith.constant 1 : i32
    scf.for %scan3A_110 = %scan3A_40 to %scan3A_42 step %scan3A_43  : i32 {
      %mul3A_111 = arith.constant 2 : i32
      %mul3A_112 = arith.muli %mul3A_111, %scan3A_110 : i32
      %dma_wait3A_113 = arith.constant 0 : i32
      %dma_wait3A_114 = arith.constant 0 : i32
      %dma_wait3A_115 = tpu.memref_slice %arg3[%scan3A_39, %dma_wait3A_113, %dma_wait3A_114] : memref<16x100000x8xf32, #tpu.memory_space<hbm>> -> memref<1x100000x8xf32, #tpu.memory_space<hbm>>
      %dma_wait3A_116 = tpu.memref_squeeze %dma_wait3A_115 : memref<1x100000x8xf32, #tpu.memory_space<hbm>> -> memref<100000x8xf32, #tpu.memory_space<hbm>>
      %dma_wait3A_117 = arith.constant 0 : i32
      %dma_wait3A_118 = arith.constant 0 : i32
      %dma_wait3A_119 = tpu.memref_slice %dma_wait3A_116[%dma_wait3A_117, %dma_wait3A_118] : memref<100000x8xf32, #tpu.memory_space<hbm>> -> memref<100000x8xf32, #tpu.memory_space<hbm>>
      tpu.wait_indirect_dma semaphore(%arg9 : memref<!tpu.dma_semaphore, #tpu.memory_space<semaphore_mem>>) src(%dma_wait3A_119 : memref<100000x8xf32, #tpu.memory_space<hbm>>) dst(%arg7 : memref<4096x8xf32, #tpu.memory_space<vmem>>)
      %mul3A_120 = arith.constant 4096 : i32
      %mul3A_121 = arith.muli %mul3A_112, %mul3A_120 : i32
      %add3A_122 = arith.addi %mul3A_2, %mul3A_121 : i32
      %dma_start3A_123 = arith.constant 0 : i32
      %dma_start3A_124 = tpu.memref_slice %arg4[%add3A_122, %dma_start3A_123] : memref<3276800x8xf32, #tpu.memory_space<hbm>> -> memref<4096x8xf32, #tpu.memory_space<hbm>>
      %dma_start3A_125 = arith.constant 0 : i32
      %dma_start3A_126 = tpu.memref_slice %arg4[%add3A_122, %dma_start3A_125] : memref<3276800x8xf32, #tpu.memory_space<hbm>> -> memref<4096x8xf32, #tpu.memory_space<hbm>>
      tpu.enqueue_dma source(%arg7 : memref<4096x8xf32, #tpu.memory_space<vmem>>) target(%dma_start3A_126 : memref<4096x8xf32, #tpu.memory_space<hbm>>) target_semaphore(%arg11 : memref<!tpu.dma_semaphore, #tpu.memory_space<semaphore_mem>>)
      %add3A_127 = arith.constant 2 : i32
      %add3A_128 = arith.addi %mul3A_112, %add3A_127 : i32
      %add3A_129 = arith.addi %mul3A_4, %add3A_128 : i32
      "tpu.region"() ({
        %run_scoped3A = tpu.sem_alloc : memref<!tpu.dma_semaphore, #tpu.memory_space<semaphore_mem>>
        %dma_start3A_191 = arith.constant 0 : i32
        %dma_start3A_192 = tpu.memref_slice %arg2[%add3A_129, %dma_start3A_191] : memref<800x4096xi32, #tpu.memory_space<hbm>> -> memref<1x4096xi32, #tpu.memory_space<hbm>>
        %dma_start3A_193 = tpu.memref_squeeze %dma_start3A_192 : memref<1x4096xi32, #tpu.memory_space<hbm>> -> memref<4096xi32, #tpu.memory_space<hbm>>
        %dma_start3A_194 = arith.constant 0 : i32
        %dma_start3A_195 = tpu.memref_slice %arg2[%add3A_129, %dma_start3A_194] : memref<800x4096xi32, #tpu.memory_space<hbm>> -> memref<1x4096xi32, #tpu.memory_space<hbm>>
        %dma_start3A_196 = tpu.memref_squeeze %dma_start3A_195 : memref<1x4096xi32, #tpu.memory_space<hbm>> -> memref<4096xi32, #tpu.memory_space<hbm>>
        tpu.enqueue_dma source(%dma_start3A_196 : memref<4096xi32, #tpu.memory_space<hbm>>) target(%arg5 : memref<4096xi32, #tpu.memory_space<vmem>>) target_semaphore(%run_scoped3A : memref<!tpu.dma_semaphore, #tpu.memory_space<semaphore_mem>>)
        %dma_wait3A_197 = arith.constant 0 : i32
        %dma_wait3A_198 = tpu.memref_slice %arg2[%add3A_129, %dma_wait3A_197] : memref<800x4096xi32, #tpu.memory_space<hbm>> -> memref<1x4096xi32, #tpu.memory_space<hbm>>
        %dma_wait3A_199 = tpu.memref_squeeze %dma_wait3A_198 : memref<1x4096xi32, #tpu.memory_space<hbm>> -> memref<4096xi32, #tpu.memory_space<hbm>>
        %dma_wait3A_200 = arith.constant 0 : i32
        %dma_wait3A_201 = tpu.memref_slice %arg2[%add3A_129, %dma_wait3A_200] : memref<800x4096xi32, #tpu.memory_space<hbm>> -> memref<1x4096xi32, #tpu.memory_space<hbm>>
        %dma_wait3A_202 = tpu.memref_squeeze %dma_wait3A_201 : memref<1x4096xi32, #tpu.memory_space<hbm>> -> memref<4096xi32, #tpu.memory_space<hbm>>
        tpu.wait_dma2 semaphore(%run_scoped3A : memref<!tpu.dma_semaphore, #tpu.memory_space<semaphore_mem>>) src(%dma_wait3A_202 : memref<4096xi32, #tpu.memory_space<hbm>>) dst(%arg5 : memref<4096xi32, #tpu.memory_space<vmem>>)
        tpu.yield
      }) : () -> ()
      %scan3A_130 = arith.constant 0 : i32
      %scan3A_131 = arith.constant 0 : i32
      %scan3A_132 = arith.constant 32 : i32
      %scan3A_133 = arith.addi %scan3A_131, %scan3A_132 : i32
      %scan3A_134 = arith.constant 1 : i32
      scf.for %scan3A_191 = %scan3A_131 to %scan3A_133 step %scan3A_134  : i32 {
        %mul3A_192 = arith.constant 8 : i32
        %mul3A_193 = arith.muli %scan3A_191, %mul3A_192 : i32
        %add3A_194 = arith.constant 0 : i32
        %add3A_195 = arith.addi %mul3A_193, %add3A_194 : i32
        %mul3A_196 = arith.constant 16 : i32
        %mul3A_197 = arith.muli %add3A_195, %mul3A_196 : i32
        %get3A = arith.index_cast %mul3A_197 : i32 to index
        %get3A_198 = tpu.vector_load %arg5[%get3A] {strides = array<i32>} : memref<4096xi32, #tpu.memory_space<vmem>>, vector<16xi32>,
        %get3A_199 = vector.shape_cast %get3A_198 : vector<16xi32> to vector<16xi32>
        %add3A_200 = arith.addi %get3A_199, %mul3A_7 : vector<16xi32>
        %swap3A = arith.index_cast %mul3A_197 : i32 to index
        %swap3A_201 = tpu.vector_load %arg5[%swap3A] {strides = array<i32>} : memref<4096xi32, #tpu.memory_space<vmem>>, vector<16xi32>,
        %swap3A_202 = vector.shape_cast %swap3A_201 : vector<16xi32> to vector<16xi32>
        %swap3A_203 = vector.shape_cast %add3A_200 : vector<16xi32> to vector<16xi32>
        tpu.vector_store %arg5[%swap3A], %swap3A_203 {strides = array<i32>} : memref<4096xi32, #tpu.memory_space<vmem>>, vector<16xi32>,
        %mul3A_204 = arith.constant 8 : i32
        %mul3A_205 = arith.muli %scan3A_191, %mul3A_204 : i32
        %add3A_206 = arith.constant 1 : i32
        %add3A_207 = arith.addi %mul3A_205, %add3A_206 : i32
        %mul3A_208 = arith.constant 16 : i32
        %mul3A_209 = arith.muli %add3A_207, %mul3A_208 : i32
        %get3A_210 = arith.index_cast %mul3A_209 : i32 to index
        %get3A_211 = tpu.vector_load %arg5[%get3A_210] {strides = array<i32>} : memref<4096xi32, #tpu.memory_space<vmem>>, vector<16xi32>,
        %get3A_212 = vector.shape_cast %get3A_211 : vector<16xi32> to vector<16xi32>
        %add3A_213 = arith.addi %get3A_212, %mul3A_7 : vector<16xi32>
        %swap3A_214 = arith.index_cast %mul3A_209 : i32 to index
        %swap3A_215 = tpu.vector_load %arg5[%swap3A_214] {strides = array<i32>} : memref<4096xi32, #tpu.memory_space<vmem>>, vector<16xi32>,
        %swap3A_216 = vector.shape_cast %swap3A_215 : vector<16xi32> to vector<16xi32>
        %swap3A_217 = vector.shape_cast %add3A_213 : vector<16xi32> to vector<16xi32>
        tpu.vector_store %arg5[%swap3A_214], %swap3A_217 {strides = array<i32>} : memref<4096xi32, #tpu.memory_space<vmem>>, vector<16xi32>,
        %mul3A_218 = arith.constant 8 : i32
        %mul3A_219 = arith.muli %scan3A_191, %mul3A_218 : i32
        %add3A_220 = arith.constant 2 : i32
        %add3A_221 = arith.addi %mul3A_219, %add3A_220 : i32
        %mul3A_222 = arith.constant 16 : i32
        %mul3A_223 = arith.muli %add3A_221, %mul3A_222 : i32
        %get3A_224 = arith.index_cast %mul3A_223 : i32 to index
        %get3A_225 = tpu.vector_load %arg5[%get3A_224] {strides = array<i32>} : memref<4096xi32, #tpu.memory_space<vmem>>, vector<16xi32>,
        %get3A_226 = vector.shape_cast %get3A_225 : vector<16xi32> to vector<16xi32>
        %add3A_227 = arith.addi %get3A_226, %mul3A_7 : vector<16xi32>
        %swap3A_228 = arith.index_cast %mul3A_223 : i32 to index
        %swap3A_229 = tpu.vector_load %arg5[%swap3A_228] {strides = array<i32>} : memref<4096xi32, #tpu.memory_space<vmem>>, vector<16xi32>,
        %swap3A_230 = vector.shape_cast %swap3A_229 : vector<16xi32> to vector<16xi32>
        %swap3A_231 = vector.shape_cast %add3A_227 : vector<16xi32> to vector<16xi32>
        tpu.vector_store %arg5[%swap3A_228], %swap3A_231 {strides = array<i32>} : memref<4096xi32, #tpu.memory_space<vmem>>, vector<16xi32>,
        %mul3A_232 = arith.constant 8 : i32
        %mul3A_233 = arith.muli %scan3A_191, %mul3A_232 : i32
        %add3A_234 = arith.constant 3 : i32
        %add3A_235 = arith.addi %mul3A_233, %add3A_234 : i32
        %mul3A_236 = arith.constant 16 : i32
        %mul3A_237 = arith.muli %add3A_235, %mul3A_236 : i32
        %get3A_238 = arith.index_cast %mul3A_237 : i32 to index
        %get3A_239 = tpu.vector_load %arg5[%get3A_238] {strides = array<i32>} : memref<4096xi32, #tpu.memory_space<vmem>>, vector<16xi32>,
        %get3A_240 = vector.shape_cast %get3A_239 : vector<16xi32> to vector<16xi32>
        %add3A_241 = arith.addi %get3A_240, %mul3A_7 : vector<16xi32>
        %swap3A_242 = arith.index_cast %mul3A_237 : i32 to index
        %swap3A_243 = tpu.vector_load %arg5[%swap3A_242] {strides = array<i32>} : memref<4096xi32, #tpu.memory_space<vmem>>, vector<16xi32>,
        %swap3A_244 = vector.shape_cast %swap3A_243 : vector<16xi32> to vector<16xi32>
        %swap3A_245 = vector.shape_cast %add3A_241 : vector<16xi32> to vector<16xi32>
        tpu.vector_store %arg5[%swap3A_242], %swap3A_245 {strides = array<i32>} : memref<4096xi32, #tpu.memory_space<vmem>>, vector<16xi32>,
        %mul3A_246 = arith.constant 8 : i32
        %mul3A_247 = arith.muli %scan3A_191, %mul3A_246 : i32
        %add3A_248 = arith.constant 4 : i32
        %add3A_249 = arith.addi %mul3A_247, %add3A_248 : i32
        %mul3A_250 = arith.constant 16 : i32
        %mul3A_251 = arith.muli %add3A_249, %mul3A_250 : i32
        %get3A_252 = arith.index_cast %mul3A_251 : i32 to index
        %get3A_253 = tpu.vector_load %arg5[%get3A_252] {strides = array<i32>} : memref<4096xi32, #tpu.memory_space<vmem>>, vector<16xi32>,
        %get3A_254 = vector.shape_cast %get3A_253 : vector<16xi32> to vector<16xi32>
        %add3A_255 = arith.addi %get3A_254, %mul3A_7 : vector<16xi32>
        %swap3A_256 = arith.index_cast %mul3A_251 : i32 to index
        %swap3A_257 = tpu.vector_load %arg5[%swap3A_256] {strides = array<i32>} : memref<4096xi32, #tpu.memory_space<vmem>>, vector<16xi32>,
        %swap3A_258 = vector.shape_cast %swap3A_257 : vector<16xi32> to vector<16xi32>
        %swap3A_259 = vector.shape_cast %add3A_255 : vector<16xi32> to vector<16xi32>
        tpu.vector_store %arg5[%swap3A_256], %swap3A_259 {strides = array<i32>} : memref<4096xi32, #tpu.memory_space<vmem>>, vector<16xi32>,
        %mul3A_260 = arith.constant 8 : i32
        %mul3A_261 = arith.muli %scan3A_191, %mul3A_260 : i32
        %add3A_262 = arith.constant 5 : i32
        %add3A_263 = arith.addi %mul3A_261, %add3A_262 : i32
        %mul3A_264 = arith.constant 16 : i32
        %mul3A_265 = arith.muli %add3A_263, %mul3A_264 : i32
        %get3A_266 = arith.index_cast %mul3A_265 : i32 to index
        %get3A_267 = tpu.vector_load %arg5[%get3A_266] {strides = array<i32>} : memref<4096xi32, #tpu.memory_space<vmem>>, vector<16xi32>,
        %get3A_268 = vector.shape_cast %get3A_267 : vector<16xi32> to vector<16xi32>
        %add3A_269 = arith.addi %get3A_268, %mul3A_7 : vector<16xi32>
        %swap3A_270 = arith.index_cast %mul3A_265 : i32 to index
        %swap3A_271 = tpu.vector_load %arg5[%swap3A_270] {strides = array<i32>} : memref<4096xi32, #tpu.memory_space<vmem>>, vector<16xi32>,
        %swap3A_272 = vector.shape_cast %swap3A_271 : vector<16xi32> to vector<16xi32>
        %swap3A_273 = vector.shape_cast %add3A_269 : vector<16xi32> to vector<16xi32>
        tpu.vector_store %arg5[%swap3A_270], %swap3A_273 {strides = array<i32>} : memref<4096xi32, #tpu.memory_space<vmem>>, vector<16xi32>,
        %mul3A_274 = arith.constant 8 : i32
        %mul3A_275 = arith.muli %scan3A_191, %mul3A_274 : i32
        %add3A_276 = arith.constant 6 : i32
        %add3A_277 = arith.addi %mul3A_275, %add3A_276 : i32
        %mul3A_278 = arith.constant 16 : i32
        %mul3A_279 = arith.muli %add3A_277, %mul3A_278 : i32
        %get3A_280 = arith.index_cast %mul3A_279 : i32 to index
        %get3A_281 = tpu.vector_load %arg5[%get3A_280] {strides = array<i32>} : memref<4096xi32, #tpu.memory_space<vmem>>, vector<16xi32>,
        %get3A_282 = vector.shape_cast %get3A_281 : vector<16xi32> to vector<16xi32>
        %add3A_283 = arith.addi %get3A_282, %mul3A_7 : vector<16xi32>
        %swap3A_284 = arith.index_cast %mul3A_279 : i32 to index
        %swap3A_285 = tpu.vector_load %arg5[%swap3A_284] {strides = array<i32>} : memref<4096xi32, #tpu.memory_space<vmem>>, vector<16xi32>,
        %swap3A_286 = vector.shape_cast %swap3A_285 : vector<16xi32> to vector<16xi32>
        %swap3A_287 = vector.shape_cast %add3A_283 : vector<16xi32> to vector<16xi32>
        tpu.vector_store %arg5[%swap3A_284], %swap3A_287 {strides = array<i32>} : memref<4096xi32, #tpu.memory_space<vmem>>, vector<16xi32>,
        %mul3A_288 = arith.constant 8 : i32
        %mul3A_289 = arith.muli %scan3A_191, %mul3A_288 : i32
        %add3A_290 = arith.constant 7 : i32
        %add3A_291 = arith.addi %mul3A_289, %add3A_290 : i32
        %mul3A_292 = arith.constant 16 : i32
        %mul3A_293 = arith.muli %add3A_291, %mul3A_292 : i32
        %get3A_294 = arith.index_cast %mul3A_293 : i32 to index
        %get3A_295 = tpu.vector_load %arg5[%get3A_294] {strides = array<i32>} : memref<4096xi32, #tpu.memory_space<vmem>>, vector<16xi32>,
        %get3A_296 = vector.shape_cast %get3A_295 : vector<16xi32> to vector<16xi32>
        %add3A_297 = arith.addi %get3A_296, %mul3A_7 : vector<16xi32>
        %swap3A_298 = arith.index_cast %mul3A_293 : i32 to index
        %swap3A_299 = tpu.vector_load %arg5[%swap3A_298] {strides = array<i32>} : memref<4096xi32, #tpu.memory_space<vmem>>, vector<16xi32>,
        %swap3A_300 = vector.shape_cast %swap3A_299 : vector<16xi32> to vector<16xi32>
        %swap3A_301 = vector.shape_cast %add3A_297 : vector<16xi32> to vector<16xi32>
        tpu.vector_store %arg5[%swap3A_298], %swap3A_301 {strides = array<i32>} : memref<4096xi32, #tpu.memory_space<vmem>>, vector<16xi32>,
      }
      %scan3A_135 = arith.constant 32 : i32
      %mul3A_136 = arith.constant 4096 : i32
      %mul3A_137 = arith.muli %mul3A_112, %mul3A_136 : i32
      %add3A_138 = arith.addi %mul3A_2, %mul3A_137 : i32
      %dma_wait3A_139 = arith.constant 0 : i32
      %dma_wait3A_140 = tpu.memref_slice %arg4[%add3A_138, %dma_wait3A_139] : memref<3276800x8xf32, #tpu.memory_space<hbm>> -> memref<4096x8xf32, #tpu.memory_space<hbm>>
      %dma_wait3A_141 = arith.constant 0 : i32
      %dma_wait3A_142 = tpu.memref_slice %arg4[%add3A_138, %dma_wait3A_141] : memref<3276800x8xf32, #tpu.memory_space<hbm>> -> memref<4096x8xf32, #tpu.memory_space<hbm>>
      tpu.wait_dma2 semaphore(%arg11 : memref<!tpu.dma_semaphore, #tpu.memory_space<semaphore_mem>>) src(%arg7 : memref<4096x8xf32, #tpu.memory_space<vmem>>) dst(%dma_wait3A_142 : memref<4096x8xf32, #tpu.memory_space<hbm>>)
      %dma_start3A_143 = arith.constant 0 : i32
      %dma_start3A_144 = arith.constant 0 : i32
      %dma_start3A_145 = tpu.memref_slice %arg3[%scan3A_39, %dma_start3A_143, %dma_start3A_144] : memref<16x100000x8xf32, #tpu.memory_space<hbm>> -> memref<1x100000x8xf32, #tpu.memory_space<hbm>>
      %dma_start3A_146 = tpu.memref_squeeze %dma_start3A_145 : memref<1x100000x8xf32, #tpu.memory_space<hbm>> -> memref<100000x8xf32, #tpu.memory_space<hbm>>
      %dma_start3A_147 = arith.constant 0 : i32
      %dma_start3A_148 = arith.constant 0 : i32
      %dma_start3A_149 = tpu.memref_slice %dma_start3A_146[%dma_start3A_147, %dma_start3A_148] : memref<100000x8xf32, #tpu.memory_space<hbm>> -> memref<100000x8xf32, #tpu.memory_space<hbm>>
      tpu.enqueue_indirect_dma source(%dma_start3A_149 : memref<100000x8xf32, #tpu.memory_space<hbm>>) target(%arg7 : memref<4096x8xf32, #tpu.memory_space<vmem>>) offsets(%arg5 : memref<4096xi32, #tpu.memory_space<vmem>>) semaphore(%arg9 : memref<!tpu.dma_semaphore, #tpu.memory_space<semaphore_mem>>)
      %dma_wait3A_150 = arith.constant 0 : i32
      %dma_wait3A_151 = arith.constant 0 : i32
      %dma_wait3A_152 = tpu.memref_slice %arg3[%scan3A_39, %dma_wait3A_150, %dma_wait3A_151] : memref<16x100000x8xf32, #tpu.memory_space<hbm>> -> memref<1x100000x8xf32, #tpu.memory_space<hbm>>
      %dma_wait3A_153 = tpu.memref_squeeze %dma_wait3A_152 : memref<1x100000x8xf32, #tpu.memory_space<hbm>> -> memref<100000x8xf32, #tpu.memory_space<hbm>>
      %dma_wait3A_154 = arith.constant 0 : i32
      %dma_wait3A_155 = arith.constant 0 : i32
      %dma_wait3A_156 = tpu.memref_slice %dma_wait3A_153[%dma_wait3A_154, %dma_wait3A_155] : memref<100000x8xf32, #tpu.memory_space<hbm>> -> memref<100000x8xf32, #tpu.memory_space<hbm>>
      tpu.wait_indirect_dma semaphore(%arg10 : memref<!tpu.dma_semaphore, #tpu.memory_space<semaphore_mem>>) src(%dma_wait3A_156 : memref<100000x8xf32, #tpu.memory_space<hbm>>) dst(%arg8 : memref<4096x8xf32, #tpu.memory_space<vmem>>)
      %add3A_157 = arith.constant 1 : i32
      %add3A_158 = arith.addi %mul3A_112, %add3A_157 : i32
      %mul3A_159 = arith.constant 4096 : i32
      %mul3A_160 = arith.muli %add3A_158, %mul3A_159 : i32
      %add3A_161 = arith.addi %mul3A_2, %mul3A_160 : i32
      %dma_start3A_162 = arith.constant 0 : i32
      %dma_start3A_163 = tpu.memref_slice %arg4[%add3A_161, %dma_start3A_162] : memref<3276800x8xf32, #tpu.memory_space<hbm>> -> memref<4096x8xf32, #tpu.memory_space<hbm>>
      %dma_start3A_164 = arith.constant 0 : i32
      %dma_start3A_165 = tpu.memref_slice %arg4[%add3A_161, %dma_start3A_164] : memref<3276800x8xf32, #tpu.memory_space<hbm>> -> memref<4096x8xf32, #tpu.memory_space<hbm>>
      tpu.enqueue_dma source(%arg8 : memref<4096x8xf32, #tpu.memory_space<vmem>>) target(%dma_start3A_165 : memref<4096x8xf32, #tpu.memory_space<hbm>>) target_semaphore(%arg12 : memref<!tpu.dma_semaphore, #tpu.memory_space<semaphore_mem>>)
      %add3A_166 = arith.constant 3 : i32
      %add3A_167 = arith.addi %mul3A_112, %add3A_166 : i32
      %add3A_168 = arith.addi %mul3A_4, %add3A_167 : i32
      "tpu.region"() ({
        %run_scoped3A = tpu.sem_alloc : memref<!tpu.dma_semaphore, #tpu.memory_space<semaphore_mem>>
        %dma_start3A_191 = arith.constant 0 : i32
        %dma_start3A_192 = tpu.memref_slice %arg2[%add3A_168, %dma_start3A_191] : memref<800x4096xi32, #tpu.memory_space<hbm>> -> memref<1x4096xi32, #tpu.memory_space<hbm>>
        %dma_start3A_193 = tpu.memref_squeeze %dma_start3A_192 : memref<1x4096xi32, #tpu.memory_space<hbm>> -> memref<4096xi32, #tpu.memory_space<hbm>>
        %dma_start3A_194 = arith.constant 0 : i32
        %dma_start3A_195 = tpu.memref_slice %arg2[%add3A_168, %dma_start3A_194] : memref<800x4096xi32, #tpu.memory_space<hbm>> -> memref<1x4096xi32, #tpu.memory_space<hbm>>
        %dma_start3A_196 = tpu.memref_squeeze %dma_start3A_195 : memref<1x4096xi32, #tpu.memory_space<hbm>> -> memref<4096xi32, #tpu.memory_space<hbm>>
        tpu.enqueue_dma source(%dma_start3A_196 : memref<4096xi32, #tpu.memory_space<hbm>>) target(%arg6 : memref<4096xi32, #tpu.memory_space<vmem>>) target_semaphore(%run_scoped3A : memref<!tpu.dma_semaphore, #tpu.memory_space<semaphore_mem>>)
        %dma_wait3A_197 = arith.constant 0 : i32
        %dma_wait3A_198 = tpu.memref_slice %arg2[%add3A_168, %dma_wait3A_197] : memref<800x4096xi32, #tpu.memory_space<hbm>> -> memref<1x4096xi32, #tpu.memory_space<hbm>>
        %dma_wait3A_199 = tpu.memref_squeeze %dma_wait3A_198 : memref<1x4096xi32, #tpu.memory_space<hbm>> -> memref<4096xi32, #tpu.memory_space<hbm>>
        %dma_wait3A_200 = arith.constant 0 : i32
        %dma_wait3A_201 = tpu.memref_slice %arg2[%add3A_168, %dma_wait3A_200] : memref<800x4096xi32, #tpu.memory_space<hbm>> -> memref<1x4096xi32, #tpu.memory_space<hbm>>
        %dma_wait3A_202 = tpu.memref_squeeze %dma_wait3A_201 : memref<1x4096xi32, #tpu.memory_space<hbm>> -> memref<4096xi32, #tpu.memory_space<hbm>>
        tpu.wait_dma2 semaphore(%run_scoped3A : memref<!tpu.dma_semaphore, #tpu.memory_space<semaphore_mem>>) src(%dma_wait3A_202 : memref<4096xi32, #tpu.memory_space<hbm>>) dst(%arg6 : memref<4096xi32, #tpu.memory_space<vmem>>)
        tpu.yield
      }) : () -> ()
      %scan3A_169 = arith.constant 0 : i32
      %scan3A_170 = arith.constant 0 : i32
      %scan3A_171 = arith.constant 32 : i32
      %scan3A_172 = arith.addi %scan3A_170, %scan3A_171 : i32
      %scan3A_173 = arith.constant 1 : i32
      scf.for %scan3A_191 = %scan3A_170 to %scan3A_172 step %scan3A_173  : i32 {
        %mul3A_192 = arith.constant 8 : i32
        %mul3A_193 = arith.muli %scan3A_191, %mul3A_192 : i32
        %add3A_194 = arith.constant 0 : i32
        %add3A_195 = arith.addi %mul3A_193, %add3A_194 : i32
        %mul3A_196 = arith.constant 16 : i32
        %mul3A_197 = arith.muli %add3A_195, %mul3A_196 : i32
        %get3A = arith.index_cast %mul3A_197 : i32 to index
        %get3A_198 = tpu.vector_load %arg6[%get3A] {strides = array<i32>} : memref<4096xi32, #tpu.memory_space<vmem>>, vector<16xi32>,
        %get3A_199 = vector.shape_cast %get3A_198 : vector<16xi32> to vector<16xi32>
        %add3A_200 = arith.addi %get3A_199, %mul3A_7 : vector<16xi32>
        %swap3A = arith.index_cast %mul3A_197 : i32 to index
        %swap3A_201 = tpu.vector_load %arg6[%swap3A] {strides = array<i32>} : memref<4096xi32, #tpu.memory_space<vmem>>, vector<16xi32>,
        %swap3A_202 = vector.shape_cast %swap3A_201 : vector<16xi32> to vector<16xi32>
        %swap3A_203 = vector.shape_cast %add3A_200 : vector<16xi32> to vector<16xi32>
        tpu.vector_store %arg6[%swap3A], %swap3A_203 {strides = array<i32>} : memref<4096xi32, #tpu.memory_space<vmem>>, vector<16xi32>,
        %mul3A_204 = arith.constant 8 : i32
        %mul3A_205 = arith.muli %scan3A_191, %mul3A_204 : i32
        %add3A_206 = arith.constant 1 : i32
        %add3A_207 = arith.addi %mul3A_205, %add3A_206 : i32
        %mul3A_208 = arith.constant 16 : i32
        %mul3A_209 = arith.muli %add3A_207, %mul3A_208 : i32
        %get3A_210 = arith.index_cast %mul3A_209 : i32 to index
        %get3A_211 = tpu.vector_load %arg6[%get3A_210] {strides = array<i32>} : memref<4096xi32, #tpu.memory_space<vmem>>, vector<16xi32>,
        %get3A_212 = vector.shape_cast %get3A_211 : vector<16xi32> to vector<16xi32>
        %add3A_213 = arith.addi %get3A_212, %mul3A_7 : vector<16xi32>
        %swap3A_214 = arith.index_cast %mul3A_209 : i32 to index
        %swap3A_215 = tpu.vector_load %arg6[%swap3A_214] {strides = array<i32>} : memref<4096xi32, #tpu.memory_space<vmem>>, vector<16xi32>,
        %swap3A_216 = vector.shape_cast %swap3A_215 : vector<16xi32> to vector<16xi32>
        %swap3A_217 = vector.shape_cast %add3A_213 : vector<16xi32> to vector<16xi32>
        tpu.vector_store %arg6[%swap3A_214], %swap3A_217 {strides = array<i32>} : memref<4096xi32, #tpu.memory_space<vmem>>, vector<16xi32>,
        %mul3A_218 = arith.constant 8 : i32
        %mul3A_219 = arith.muli %scan3A_191, %mul3A_218 : i32
        %add3A_220 = arith.constant 2 : i32
        %add3A_221 = arith.addi %mul3A_219, %add3A_220 : i32
        %mul3A_222 = arith.constant 16 : i32
        %mul3A_223 = arith.muli %add3A_221, %mul3A_222 : i32
        %get3A_224 = arith.index_cast %mul3A_223 : i32 to index
        %get3A_225 = tpu.vector_load %arg6[%get3A_224] {strides = array<i32>} : memref<4096xi32, #tpu.memory_space<vmem>>, vector<16xi32>,
        %get3A_226 = vector.shape_cast %get3A_225 : vector<16xi32> to vector<16xi32>
        %add3A_227 = arith.addi %get3A_226, %mul3A_7 : vector<16xi32>
        %swap3A_228 = arith.index_cast %mul3A_223 : i32 to index
        %swap3A_229 = tpu.vector_load %arg6[%swap3A_228] {strides = array<i32>} : memref<4096xi32, #tpu.memory_space<vmem>>, vector<16xi32>,
        %swap3A_230 = vector.shape_cast %swap3A_229 : vector<16xi32> to vector<16xi32>
        %swap3A_231 = vector.shape_cast %add3A_227 : vector<16xi32> to vector<16xi32>
        tpu.vector_store %arg6[%swap3A_228], %swap3A_231 {strides = array<i32>} : memref<4096xi32, #tpu.memory_space<vmem>>, vector<16xi32>,
        %mul3A_232 = arith.constant 8 : i32
        %mul3A_233 = arith.muli %scan3A_191, %mul3A_232 : i32
        %add3A_234 = arith.constant 3 : i32
        %add3A_235 = arith.addi %mul3A_233, %add3A_234 : i32
        %mul3A_236 = arith.constant 16 : i32
        %mul3A_237 = arith.muli %add3A_235, %mul3A_236 : i32
        %get3A_238 = arith.index_cast %mul3A_237 : i32 to index
        %get3A_239 = tpu.vector_load %arg6[%get3A_238] {strides = array<i32>} : memref<4096xi32, #tpu.memory_space<vmem>>, vector<16xi32>,
        %get3A_240 = vector.shape_cast %get3A_239 : vector<16xi32> to vector<16xi32>
        %add3A_241 = arith.addi %get3A_240, %mul3A_7 : vector<16xi32>
        %swap3A_242 = arith.index_cast %mul3A_237 : i32 to index
        %swap3A_243 = tpu.vector_load %arg6[%swap3A_242] {strides = array<i32>} : memref<4096xi32, #tpu.memory_space<vmem>>, vector<16xi32>,
        %swap3A_244 = vector.shape_cast %swap3A_243 : vector<16xi32> to vector<16xi32>
        %swap3A_245 = vector.shape_cast %add3A_241 : vector<16xi32> to vector<16xi32>
        tpu.vector_store %arg6[%swap3A_242], %swap3A_245 {strides = array<i32>} : memref<4096xi32, #tpu.memory_space<vmem>>, vector<16xi32>,
        %mul3A_246 = arith.constant 8 : i32
        %mul3A_247 = arith.muli %scan3A_191, %mul3A_246 : i32
        %add3A_248 = arith.constant 4 : i32
        %add3A_249 = arith.addi %mul3A_247, %add3A_248 : i32
        %mul3A_250 = arith.constant 16 : i32
        %mul3A_251 = arith.muli %add3A_249, %mul3A_250 : i32
        %get3A_252 = arith.index_cast %mul3A_251 : i32 to index
        %get3A_253 = tpu.vector_load %arg6[%get3A_252] {strides = array<i32>} : memref<4096xi32, #tpu.memory_space<vmem>>, vector<16xi32>,
        %get3A_254 = vector.shape_cast %get3A_253 : vector<16xi32> to vector<16xi32>
        %add3A_255 = arith.addi %get3A_254, %mul3A_7 : vector<16xi32>
        %swap3A_256 = arith.index_cast %mul3A_251 : i32 to index
        %swap3A_257 = tpu.vector_load %arg6[%swap3A_256] {strides = array<i32>} : memref<4096xi32, #tpu.memory_space<vmem>>, vector<16xi32>,
        %swap3A_258 = vector.shape_cast %swap3A_257 : vector<16xi32> to vector<16xi32>
        %swap3A_259 = vector.shape_cast %add3A_255 : vector<16xi32> to vector<16xi32>
        tpu.vector_store %arg6[%swap3A_256], %swap3A_259 {strides = array<i32>} : memref<4096xi32, #tpu.memory_space<vmem>>, vector<16xi32>,
        %mul3A_260 = arith.constant 8 : i32
        %mul3A_261 = arith.muli %scan3A_191, %mul3A_260 : i32
        %add3A_262 = arith.constant 5 : i32
        %add3A_263 = arith.addi %mul3A_261, %add3A_262 : i32
        %mul3A_264 = arith.constant 16 : i32
        %mul3A_265 = arith.muli %add3A_263, %mul3A_264 : i32
        %get3A_266 = arith.index_cast %mul3A_265 : i32 to index
        %get3A_267 = tpu.vector_load %arg6[%get3A_266] {strides = array<i32>} : memref<4096xi32, #tpu.memory_space<vmem>>, vector<16xi32>,
        %get3A_268 = vector.shape_cast %get3A_267 : vector<16xi32> to vector<16xi32>
        %add3A_269 = arith.addi %get3A_268, %mul3A_7 : vector<16xi32>
        %swap3A_270 = arith.index_cast %mul3A_265 : i32 to index
        %swap3A_271 = tpu.vector_load %arg6[%swap3A_270] {strides = array<i32>} : memref<4096xi32, #tpu.memory_space<vmem>>, vector<16xi32>,
        %swap3A_272 = vector.shape_cast %swap3A_271 : vector<16xi32> to vector<16xi32>
        %swap3A_273 = vector.shape_cast %add3A_269 : vector<16xi32> to vector<16xi32>
        tpu.vector_store %arg6[%swap3A_270], %swap3A_273 {strides = array<i32>} : memref<4096xi32, #tpu.memory_space<vmem>>, vector<16xi32>,
        %mul3A_274 = arith.constant 8 : i32
        %mul3A_275 = arith.muli %scan3A_191, %mul3A_274 : i32
        %add3A_276 = arith.constant 6 : i32
        %add3A_277 = arith.addi %mul3A_275, %add3A_276 : i32
        %mul3A_278 = arith.constant 16 : i32
        %mul3A_279 = arith.muli %add3A_277, %mul3A_278 : i32
        %get3A_280 = arith.index_cast %mul3A_279 : i32 to index
        %get3A_281 = tpu.vector_load %arg6[%get3A_280] {strides = array<i32>} : memref<4096xi32, #tpu.memory_space<vmem>>, vector<16xi32>,
        %get3A_282 = vector.shape_cast %get3A_281 : vector<16xi32> to vector<16xi32>
        %add3A_283 = arith.addi %get3A_282, %mul3A_7 : vector<16xi32>
        %swap3A_284 = arith.index_cast %mul3A_279 : i32 to index
        %swap3A_285 = tpu.vector_load %arg6[%swap3A_284] {strides = array<i32>} : memref<4096xi32, #tpu.memory_space<vmem>>, vector<16xi32>,
        %swap3A_286 = vector.shape_cast %swap3A_285 : vector<16xi32> to vector<16xi32>
        %swap3A_287 = vector.shape_cast %add3A_283 : vector<16xi32> to vector<16xi32>
        tpu.vector_store %arg6[%swap3A_284], %swap3A_287 {strides = array<i32>} : memref<4096xi32, #tpu.memory_space<vmem>>, vector<16xi32>,
        %mul3A_288 = arith.constant 8 : i32
        %mul3A_289 = arith.muli %scan3A_191, %mul3A_288 : i32
        %add3A_290 = arith.constant 7 : i32
        %add3A_291 = arith.addi %mul3A_289, %add3A_290 : i32
        %mul3A_292 = arith.constant 16 : i32
        %mul3A_293 = arith.muli %add3A_291, %mul3A_292 : i32
        %get3A_294 = arith.index_cast %mul3A_293 : i32 to index
        %get3A_295 = tpu.vector_load %arg6[%get3A_294] {strides = array<i32>} : memref<4096xi32, #tpu.memory_space<vmem>>, vector<16xi32>,
        %get3A_296 = vector.shape_cast %get3A_295 : vector<16xi32> to vector<16xi32>
        %add3A_297 = arith.addi %get3A_296, %mul3A_7 : vector<16xi32>
        %swap3A_298 = arith.index_cast %mul3A_293 : i32 to index
        %swap3A_299 = tpu.vector_load %arg6[%swap3A_298] {strides = array<i32>} : memref<4096xi32, #tpu.memory_space<vmem>>, vector<16xi32>,
        %swap3A_300 = vector.shape_cast %swap3A_299 : vector<16xi32> to vector<16xi32>
        %swap3A_301 = vector.shape_cast %add3A_297 : vector<16xi32> to vector<16xi32>
        tpu.vector_store %arg6[%swap3A_298], %swap3A_301 {strides = array<i32>} : memref<4096xi32, #tpu.memory_space<vmem>>, vector<16xi32>,
      }
      %scan3A_174 = arith.constant 32 : i32
      %add3A_175 = arith.constant 1 : i32
      %add3A_176 = arith.addi %mul3A_112, %add3A_175 : i32
      %mul3A_177 = arith.constant 4096 : i32
      %mul3A_178 = arith.muli %add3A_176, %mul3A_177 : i32
      %add3A_179 = arith.addi %mul3A_2, %mul3A_178 : i32
      %dma_wait3A_180 = arith.constant 0 : i32
      %dma_wait3A_181 = tpu.memref_slice %arg4[%add3A_179, %dma_wait3A_180] : memref<3276800x8xf32, #tpu.memory_space<hbm>> -> memref<4096x8xf32, #tpu.memory_space<hbm>>
      %dma_wait3A_182 = arith.constant 0 : i32
      %dma_wait3A_183 = tpu.memref_slice %arg4[%add3A_179, %dma_wait3A_182] : memref<3276800x8xf32, #tpu.memory_space<hbm>> -> memref<4096x8xf32, #tpu.memory_space<hbm>>
      tpu.wait_dma2 semaphore(%arg12 : memref<!tpu.dma_semaphore, #tpu.memory_space<semaphore_mem>>) src(%arg8 : memref<4096x8xf32, #tpu.memory_space<vmem>>) dst(%dma_wait3A_183 : memref<4096x8xf32, #tpu.memory_space<hbm>>)
      %dma_start3A_184 = arith.constant 0 : i32
      %dma_start3A_185 = arith.constant 0 : i32
      %dma_start3A_186 = tpu.memref_slice %arg3[%scan3A_39, %dma_start3A_184, %dma_start3A_185] : memref<16x100000x8xf32, #tpu.memory_space<hbm>> -> memref<1x100000x8xf32, #tpu.memory_space<hbm>>
      %dma_start3A_187 = tpu.memref_squeeze %dma_start3A_186 : memref<1x100000x8xf32, #tpu.memory_space<hbm>> -> memref<100000x8xf32, #tpu.memory_space<hbm>>
      %dma_start3A_188 = arith.constant 0 : i32
      %dma_start3A_189 = arith.constant 0 : i32
      %dma_start3A_190 = tpu.memref_slice %dma_start3A_187[%dma_start3A_188, %dma_start3A_189] : memref<100000x8xf32, #tpu.memory_space<hbm>> -> memref<100000x8xf32, #tpu.memory_space<hbm>>
      tpu.enqueue_indirect_dma source(%dma_start3A_190 : memref<100000x8xf32, #tpu.memory_space<hbm>>) target(%arg8 : memref<4096x8xf32, #tpu.memory_space<vmem>>) offsets(%arg6 : memref<4096xi32, #tpu.memory_space<vmem>>) semaphore(%arg10 : memref<!tpu.dma_semaphore, #tpu.memory_space<semaphore_mem>>)
    }
    %scan3A_44 = arith.constant 11 : i32
    %dma_wait3A = arith.constant 0 : i32
    %dma_wait3A_45 = arith.constant 0 : i32
    %dma_wait3A_46 = arith.constant 0 : i32
    %dma_wait3A_47 = tpu.memref_slice %arg3[%dma_wait3A, %dma_wait3A_45, %dma_wait3A_46] : memref<16x100000x8xf32, #tpu.memory_space<hbm>> -> memref<1x100000x8xf32, #tpu.memory_space<hbm>>
    %dma_wait3A_48 = tpu.memref_squeeze %dma_wait3A_47 : memref<1x100000x8xf32, #tpu.memory_space<hbm>> -> memref<100000x8xf32, #tpu.memory_space<hbm>>
    %dma_wait3A_49 = arith.constant 0 : i32
    %dma_wait3A_50 = arith.constant 0 : i32
    %dma_wait3A_51 = tpu.memref_slice %dma_wait3A_48[%dma_wait3A_49, %dma_wait3A_50] : memref<100000x8xf32, #tpu.memory_space<hbm>> -> memref<100000x8xf32, #tpu.memory_space<hbm>>
    tpu.wait_indirect_dma semaphore(%arg9 : memref<!tpu.dma_semaphore, #tpu.memory_space<semaphore_mem>>) src(%dma_wait3A_51 : memref<100000x8xf32, #tpu.memory_space<hbm>>) dst(%arg7 : memref<4096x8xf32, #tpu.memory_space<vmem>>)
    %add3A_52 = arith.constant 90112 : i32
    %add3A_53 = arith.addi %mul3A_2, %add3A_52 : i32
    %dma_start3A_54 = arith.constant 0 : i32
    %dma_start3A_55 = tpu.memref_slice %arg4[%add3A_53, %dma_start3A_54] : memref<3276800x8xf32, #tpu.memory_space<hbm>> -> memref<4096x8xf32, #tpu.memory_space<hbm>>
    %dma_start3A_56 = arith.constant 0 : i32
    %dma_start3A_57 = tpu.memref_slice %arg4[%add3A_53, %dma_start3A_56] : memref<3276800x8xf32, #tpu.memory_space<hbm>> -> memref<4096x8xf32, #tpu.memory_space<hbm>>
    tpu.enqueue_dma source(%arg7 : memref<4096x8xf32, #tpu.memory_space<vmem>>) target(%dma_start3A_57 : memref<4096x8xf32, #tpu.memory_space<hbm>>) target_semaphore(%arg11 : memref<!tpu.dma_semaphore, #tpu.memory_space<semaphore_mem>>)
    %add3A_58 = arith.constant 24 : i32
    %add3A_59 = arith.addi %mul3A_4, %add3A_58 : i32
    "tpu.region"() ({
      %run_scoped3A = tpu.sem_alloc : memref<!tpu.dma_semaphore, #tpu.memory_space<semaphore_mem>>
      %dma_start3A_110 = arith.constant 0 : i32
      %dma_start3A_111 = tpu.memref_slice %arg2[%add3A_59, %dma_start3A_110] : memref<800x4096xi32, #tpu.memory_space<hbm>> -> memref<1x4096xi32, #tpu.memory_space<hbm>>
      %dma_start3A_112 = tpu.memref_squeeze %dma_start3A_111 : memref<1x4096xi32, #tpu.memory_space<hbm>> -> memref<4096xi32, #tpu.memory_space<hbm>>
      %dma_start3A_113 = arith.constant 0 : i32
      %dma_start3A_114 = tpu.memref_slice %arg2[%add3A_59, %dma_start3A_113] : memref<800x4096xi32, #tpu.memory_space<hbm>> -> memref<1x4096xi32, #tpu.memory_space<hbm>>
      %dma_start3A_115 = tpu.memref_squeeze %dma_start3A_114 : memref<1x4096xi32, #tpu.memory_space<hbm>> -> memref<4096xi32, #tpu.memory_space<hbm>>
      tpu.enqueue_dma source(%dma_start3A_115 : memref<4096xi32, #tpu.memory_space<hbm>>) target(%arg5 : memref<4096xi32, #tpu.memory_space<vmem>>) target_semaphore(%run_scoped3A : memref<!tpu.dma_semaphore, #tpu.memory_space<semaphore_mem>>)
      %dma_wait3A_116 = arith.constant 0 : i32
      %dma_wait3A_117 = tpu.memref_slice %arg2[%add3A_59, %dma_wait3A_116] : memref<800x4096xi32, #tpu.memory_space<hbm>> -> memref<1x4096xi32, #tpu.memory_space<hbm>>
      %dma_wait3A_118 = tpu.memref_squeeze %dma_wait3A_117 : memref<1x4096xi32, #tpu.memory_space<hbm>> -> memref<4096xi32, #tpu.memory_space<hbm>>
      %dma_wait3A_119 = arith.constant 0 : i32
      %dma_wait3A_120 = tpu.memref_slice %arg2[%add3A_59, %dma_wait3A_119] : memref<800x4096xi32, #tpu.memory_space<hbm>> -> memref<1x4096xi32, #tpu.memory_space<hbm>>
      %dma_wait3A_121 = tpu.memref_squeeze %dma_wait3A_120 : memref<1x4096xi32, #tpu.memory_space<hbm>> -> memref<4096xi32, #tpu.memory_space<hbm>>
      tpu.wait_dma2 semaphore(%run_scoped3A : memref<!tpu.dma_semaphore, #tpu.memory_space<semaphore_mem>>) src(%dma_wait3A_121 : memref<4096xi32, #tpu.memory_space<hbm>>) dst(%arg5 : memref<4096xi32, #tpu.memory_space<vmem>>)
      tpu.yield
    }) : () -> ()
    %scan3A_60 = arith.constant 0 : i32
    %scan3A_61 = arith.constant 0 : i32
    %scan3A_62 = arith.constant 32 : i32
    %scan3A_63 = arith.addi %scan3A_61, %scan3A_62 : i32
    %scan3A_64 = arith.constant 1 : i32
    scf.for %scan3A_110 = %scan3A_61 to %scan3A_63 step %scan3A_64  : i32 {
      %mul3A_111 = arith.constant 8 : i32
      %mul3A_112 = arith.muli %scan3A_110, %mul3A_111 : i32
      %add3A_113 = arith.constant 0 : i32
      %add3A_114 = arith.addi %mul3A_112, %add3A_113 : i32
      %mul3A_115 = arith.constant 16 : i32
      %mul3A_116 = arith.muli %add3A_114, %mul3A_115 : i32
      %get3A = arith.index_cast %mul3A_116 : i32 to index
      %get3A_117 = tpu.vector_load %arg5[%get3A] {strides = array<i32>} : memref<4096xi32, #tpu.memory_space<vmem>>, vector<16xi32>,
      %get3A_118 = vector.shape_cast %get3A_117 : vector<16xi32> to vector<16xi32>
      %add3A_119 = arith.addi %get3A_118, %mul3A_7 : vector<16xi32>
      %swap3A = arith.index_cast %mul3A_116 : i32 to index
      %swap3A_120 = tpu.vector_load %arg5[%swap3A] {strides = array<i32>} : memref<4096xi32, #tpu.memory_space<vmem>>, vector<16xi32>,
      %swap3A_121 = vector.shape_cast %swap3A_120 : vector<16xi32> to vector<16xi32>
      %swap3A_122 = vector.shape_cast %add3A_119 : vector<16xi32> to vector<16xi32>
      tpu.vector_store %arg5[%swap3A], %swap3A_122 {strides = array<i32>} : memref<4096xi32, #tpu.memory_space<vmem>>, vector<16xi32>,
      %mul3A_123 = arith.constant 8 : i32
      %mul3A_124 = arith.muli %scan3A_110, %mul3A_123 : i32
      %add3A_125 = arith.constant 1 : i32
      %add3A_126 = arith.addi %mul3A_124, %add3A_125 : i32
      %mul3A_127 = arith.constant 16 : i32
      %mul3A_128 = arith.muli %add3A_126, %mul3A_127 : i32
      %get3A_129 = arith.index_cast %mul3A_128 : i32 to index
      %get3A_130 = tpu.vector_load %arg5[%get3A_129] {strides = array<i32>} : memref<4096xi32, #tpu.memory_space<vmem>>, vector<16xi32>,
      %get3A_131 = vector.shape_cast %get3A_130 : vector<16xi32> to vector<16xi32>
      %add3A_132 = arith.addi %get3A_131, %mul3A_7 : vector<16xi32>
      %swap3A_133 = arith.index_cast %mul3A_128 : i32 to index
      %swap3A_134 = tpu.vector_load %arg5[%swap3A_133] {strides = array<i32>} : memref<4096xi32, #tpu.memory_space<vmem>>, vector<16xi32>,
      %swap3A_135 = vector.shape_cast %swap3A_134 : vector<16xi32> to vector<16xi32>
      %swap3A_136 = vector.shape_cast %add3A_132 : vector<16xi32> to vector<16xi32>
      tpu.vector_store %arg5[%swap3A_133], %swap3A_136 {strides = array<i32>} : memref<4096xi32, #tpu.memory_space<vmem>>, vector<16xi32>,
      %mul3A_137 = arith.constant 8 : i32
      %mul3A_138 = arith.muli %scan3A_110, %mul3A_137 : i32
      %add3A_139 = arith.constant 2 : i32
      %add3A_140 = arith.addi %mul3A_138, %add3A_139 : i32
      %mul3A_141 = arith.constant 16 : i32
      %mul3A_142 = arith.muli %add3A_140, %mul3A_141 : i32
      %get3A_143 = arith.index_cast %mul3A_142 : i32 to index
      %get3A_144 = tpu.vector_load %arg5[%get3A_143] {strides = array<i32>} : memref<4096xi32, #tpu.memory_space<vmem>>, vector<16xi32>,
      %get3A_145 = vector.shape_cast %get3A_144 : vector<16xi32> to vector<16xi32>
      %add3A_146 = arith.addi %get3A_145, %mul3A_7 : vector<16xi32>
      %swap3A_147 = arith.index_cast %mul3A_142 : i32 to index
      %swap3A_148 = tpu.vector_load %arg5[%swap3A_147] {strides = array<i32>} : memref<4096xi32, #tpu.memory_space<vmem>>, vector<16xi32>,
      %swap3A_149 = vector.shape_cast %swap3A_148 : vector<16xi32> to vector<16xi32>
      %swap3A_150 = vector.shape_cast %add3A_146 : vector<16xi32> to vector<16xi32>
      tpu.vector_store %arg5[%swap3A_147], %swap3A_150 {strides = array<i32>} : memref<4096xi32, #tpu.memory_space<vmem>>, vector<16xi32>,
      %mul3A_151 = arith.constant 8 : i32
      %mul3A_152 = arith.muli %scan3A_110, %mul3A_151 : i32
      %add3A_153 = arith.constant 3 : i32
      %add3A_154 = arith.addi %mul3A_152, %add3A_153 : i32
      %mul3A_155 = arith.constant 16 : i32
      %mul3A_156 = arith.muli %add3A_154, %mul3A_155 : i32
      %get3A_157 = arith.index_cast %mul3A_156 : i32 to index
      %get3A_158 = tpu.vector_load %arg5[%get3A_157] {strides = array<i32>} : memref<4096xi32, #tpu.memory_space<vmem>>, vector<16xi32>,
      %get3A_159 = vector.shape_cast %get3A_158 : vector<16xi32> to vector<16xi32>
      %add3A_160 = arith.addi %get3A_159, %mul3A_7 : vector<16xi32>
      %swap3A_161 = arith.index_cast %mul3A_156 : i32 to index
      %swap3A_162 = tpu.vector_load %arg5[%swap3A_161] {strides = array<i32>} : memref<4096xi32, #tpu.memory_space<vmem>>, vector<16xi32>,
      %swap3A_163 = vector.shape_cast %swap3A_162 : vector<16xi32> to vector<16xi32>
      %swap3A_164 = vector.shape_cast %add3A_160 : vector<16xi32> to vector<16xi32>
      tpu.vector_store %arg5[%swap3A_161], %swap3A_164 {strides = array<i32>} : memref<4096xi32, #tpu.memory_space<vmem>>, vector<16xi32>,
      %mul3A_165 = arith.constant 8 : i32
      %mul3A_166 = arith.muli %scan3A_110, %mul3A_165 : i32
      %add3A_167 = arith.constant 4 : i32
      %add3A_168 = arith.addi %mul3A_166, %add3A_167 : i32
      %mul3A_169 = arith.constant 16 : i32
      %mul3A_170 = arith.muli %add3A_168, %mul3A_169 : i32
      %get3A_171 = arith.index_cast %mul3A_170 : i32 to index
      %get3A_172 = tpu.vector_load %arg5[%get3A_171] {strides = array<i32>} : memref<4096xi32, #tpu.memory_space<vmem>>, vector<16xi32>,
      %get3A_173 = vector.shape_cast %get3A_172 : vector<16xi32> to vector<16xi32>
      %add3A_174 = arith.addi %get3A_173, %mul3A_7 : vector<16xi32>
      %swap3A_175 = arith.index_cast %mul3A_170 : i32 to index
      %swap3A_176 = tpu.vector_load %arg5[%swap3A_175] {strides = array<i32>} : memref<4096xi32, #tpu.memory_space<vmem>>, vector<16xi32>,
      %swap3A_177 = vector.shape_cast %swap3A_176 : vector<16xi32> to vector<16xi32>
      %swap3A_178 = vector.shape_cast %add3A_174 : vector<16xi32> to vector<16xi32>
      tpu.vector_store %arg5[%swap3A_175], %swap3A_178 {strides = array<i32>} : memref<4096xi32, #tpu.memory_space<vmem>>, vector<16xi32>,
      %mul3A_179 = arith.constant 8 : i32
      %mul3A_180 = arith.muli %scan3A_110, %mul3A_179 : i32
      %add3A_181 = arith.constant 5 : i32
      %add3A_182 = arith.addi %mul3A_180, %add3A_181 : i32
      %mul3A_183 = arith.constant 16 : i32
      %mul3A_184 = arith.muli %add3A_182, %mul3A_183 : i32
      %get3A_185 = arith.index_cast %mul3A_184 : i32 to index
      %get3A_186 = tpu.vector_load %arg5[%get3A_185] {strides = array<i32>} : memref<4096xi32, #tpu.memory_space<vmem>>, vector<16xi32>,
      %get3A_187 = vector.shape_cast %get3A_186 : vector<16xi32> to vector<16xi32>
      %add3A_188 = arith.addi %get3A_187, %mul3A_7 : vector<16xi32>
      %swap3A_189 = arith.index_cast %mul3A_184 : i32 to index
      %swap3A_190 = tpu.vector_load %arg5[%swap3A_189] {strides = array<i32>} : memref<4096xi32, #tpu.memory_space<vmem>>, vector<16xi32>,
      %swap3A_191 = vector.shape_cast %swap3A_190 : vector<16xi32> to vector<16xi32>
      %swap3A_192 = vector.shape_cast %add3A_188 : vector<16xi32> to vector<16xi32>
      tpu.vector_store %arg5[%swap3A_189], %swap3A_192 {strides = array<i32>} : memref<4096xi32, #tpu.memory_space<vmem>>, vector<16xi32>,
      %mul3A_193 = arith.constant 8 : i32
      %mul3A_194 = arith.muli %scan3A_110, %mul3A_193 : i32
      %add3A_195 = arith.constant 6 : i32
      %add3A_196 = arith.addi %mul3A_194, %add3A_195 : i32
      %mul3A_197 = arith.constant 16 : i32
      %mul3A_198 = arith.muli %add3A_196, %mul3A_197 : i32
      %get3A_199 = arith.index_cast %mul3A_198 : i32 to index
      %get3A_200 = tpu.vector_load %arg5[%get3A_199] {strides = array<i32>} : memref<4096xi32, #tpu.memory_space<vmem>>, vector<16xi32>,
      %get3A_201 = vector.shape_cast %get3A_200 : vector<16xi32> to vector<16xi32>
      %add3A_202 = arith.addi %get3A_201, %mul3A_7 : vector<16xi32>
      %swap3A_203 = arith.index_cast %mul3A_198 : i32 to index
      %swap3A_204 = tpu.vector_load %arg5[%swap3A_203] {strides = array<i32>} : memref<4096xi32, #tpu.memory_space<vmem>>, vector<16xi32>,
      %swap3A_205 = vector.shape_cast %swap3A_204 : vector<16xi32> to vector<16xi32>
      %swap3A_206 = vector.shape_cast %add3A_202 : vector<16xi32> to vector<16xi32>
      tpu.vector_store %arg5[%swap3A_203], %swap3A_206 {strides = array<i32>} : memref<4096xi32, #tpu.memory_space<vmem>>, vector<16xi32>,
      %mul3A_207 = arith.constant 8 : i32
      %mul3A_208 = arith.muli %scan3A_110, %mul3A_207 : i32
      %add3A_209 = arith.constant 7 : i32
      %add3A_210 = arith.addi %mul3A_208, %add3A_209 : i32
      %mul3A_211 = arith.constant 16 : i32
      %mul3A_212 = arith.muli %add3A_210, %mul3A_211 : i32
      %get3A_213 = arith.index_cast %mul3A_212 : i32 to index
      %get3A_214 = tpu.vector_load %arg5[%get3A_213] {strides = array<i32>} : memref<4096xi32, #tpu.memory_space<vmem>>, vector<16xi32>,
      %get3A_215 = vector.shape_cast %get3A_214 : vector<16xi32> to vector<16xi32>
      %add3A_216 = arith.addi %get3A_215, %mul3A_7 : vector<16xi32>
      %swap3A_217 = arith.index_cast %mul3A_212 : i32 to index
      %swap3A_218 = tpu.vector_load %arg5[%swap3A_217] {strides = array<i32>} : memref<4096xi32, #tpu.memory_space<vmem>>, vector<16xi32>,
      %swap3A_219 = vector.shape_cast %swap3A_218 : vector<16xi32> to vector<16xi32>
      %swap3A_220 = vector.shape_cast %add3A_216 : vector<16xi32> to vector<16xi32>
      tpu.vector_store %arg5[%swap3A_217], %swap3A_220 {strides = array<i32>} : memref<4096xi32, #tpu.memory_space<vmem>>, vector<16xi32>,
    }
    %scan3A_65 = arith.constant 32 : i32
    %add3A_66 = arith.constant 90112 : i32
    %add3A_67 = arith.addi %mul3A_2, %add3A_66 : i32
    %dma_wait3A_68 = arith.constant 0 : i32
    %dma_wait3A_69 = tpu.memref_slice %arg4[%add3A_67, %dma_wait3A_68] : memref<3276800x8xf32, #tpu.memory_space<hbm>> -> memref<4096x8xf32, #tpu.memory_space<hbm>>
    %dma_wait3A_70 = arith.constant 0 : i32
    %dma_wait3A_71 = tpu.memref_slice %arg4[%add3A_67, %dma_wait3A_70] : memref<3276800x8xf32, #tpu.memory_space<hbm>> -> memref<4096x8xf32, #tpu.memory_space<hbm>>
    tpu.wait_dma2 semaphore(%arg11 : memref<!tpu.dma_semaphore, #tpu.memory_space<semaphore_mem>>) src(%arg7 : memref<4096x8xf32, #tpu.memory_space<vmem>>) dst(%dma_wait3A_71 : memref<4096x8xf32, #tpu.memory_space<hbm>>)
    %dma_start3A_72 = arith.constant 0 : i32
    %dma_start3A_73 = arith.constant 0 : i32
    %dma_start3A_74 = arith.constant 0 : i32
    %dma_start3A_75 = tpu.memref_slice %arg3[%dma_start3A_72, %dma_start3A_73, %dma_start3A_74] : memref<16x100000x8xf32, #tpu.memory_space<hbm>> -> memref<1x100000x8xf32, #tpu.memory_space<hbm>>
    %dma_start3A_76 = tpu.memref_squeeze %dma_start3A_75 : memref<1x100000x8xf32, #tpu.memory_space<hbm>> -> memref<100000x8xf32, #tpu.memory_space<hbm>>
    %dma_start3A_77 = arith.constant 0 : i32
    %dma_start3A_78 = arith.constant 0 : i32
    %dma_start3A_79 = tpu.memref_slice %dma_start3A_76[%dma_start3A_77, %dma_start3A_78] : memref<100000x8xf32, #tpu.memory_space<hbm>> -> memref<100000x8xf32, #tpu.memory_space<hbm>>
    tpu.enqueue_indirect_dma source(%dma_start3A_79 : memref<100000x8xf32, #tpu.memory_space<hbm>>) target(%arg7 : memref<4096x8xf32, #tpu.memory_space<vmem>>) offsets(%arg5 : memref<4096xi32, #tpu.memory_space<vmem>>) semaphore(%arg9 : memref<!tpu.dma_semaphore, #tpu.memory_space<semaphore_mem>>)
    %dma_wait3A_80 = arith.constant 0 : i32
    %dma_wait3A_81 = arith.constant 0 : i32
    %dma_wait3A_82 = arith.constant 0 : i32
    %dma_wait3A_83 = tpu.memref_slice %arg3[%dma_wait3A_80, %dma_wait3A_81, %dma_wait3A_82] : memref<16x100000x8xf32, #tpu.memory_space<hbm>> -> memref<1x100000x8xf32, #tpu.memory_space<hbm>>
    %dma_wait3A_84 = tpu.memref_squeeze %dma_wait3A_83 : memref<1x100000x8xf32, #tpu.memory_space<hbm>> -> memref<100000x8xf32, #tpu.memory_space<hbm>>
    %dma_wait3A_85 = arith.constant 0 : i32
    %dma_wait3A_86 = arith.constant 0 : i32
    %dma_wait3A_87 = tpu.memref_slice %dma_wait3A_84[%dma_wait3A_85, %dma_wait3A_86] : memref<100000x8xf32, #tpu.memory_space<hbm>> -> memref<100000x8xf32, #tpu.memory_space<hbm>>
    tpu.wait_indirect_dma semaphore(%arg10 : memref<!tpu.dma_semaphore, #tpu.memory_space<semaphore_mem>>) src(%dma_wait3A_87 : memref<100000x8xf32, #tpu.memory_space<hbm>>) dst(%arg8 : memref<4096x8xf32, #tpu.memory_space<vmem>>)
    %add3A_88 = arith.constant 94208 : i32
    %add3A_89 = arith.addi %mul3A_2, %add3A_88 : i32
    %dma_start3A_90 = arith.constant 0 : i32
    %dma_start3A_91 = tpu.memref_slice %arg4[%add3A_89, %dma_start3A_90] : memref<3276800x8xf32, #tpu.memory_space<hbm>> -> memref<4096x8xf32, #tpu.memory_space<hbm>>
    %dma_start3A_92 = arith.constant 0 : i32
    %dma_start3A_93 = tpu.memref_slice %arg4[%add3A_89, %dma_start3A_92] : memref<3276800x8xf32, #tpu.memory_space<hbm>> -> memref<4096x8xf32, #tpu.memory_space<hbm>>
    tpu.enqueue_dma source(%arg8 : memref<4096x8xf32, #tpu.memory_space<vmem>>) target(%dma_start3A_93 : memref<4096x8xf32, #tpu.memory_space<hbm>>) target_semaphore(%arg12 : memref<!tpu.dma_semaphore, #tpu.memory_space<semaphore_mem>>)
    %dma_wait3A_94 = arith.constant 0 : i32
    %dma_wait3A_95 = arith.constant 0 : i32
    %dma_wait3A_96 = arith.constant 0 : i32
    %dma_wait3A_97 = tpu.memref_slice %arg3[%dma_wait3A_94, %dma_wait3A_95, %dma_wait3A_96] : memref<16x100000x8xf32, #tpu.memory_space<hbm>> -> memref<1x100000x8xf32, #tpu.memory_space<hbm>>
    %dma_wait3A_98 = tpu.memref_squeeze %dma_wait3A_97 : memref<1x100000x8xf32, #tpu.memory_space<hbm>> -> memref<100000x8xf32, #tpu.memory_space<hbm>>
    %dma_wait3A_99 = arith.constant 0 : i32
    %dma_wait3A_100 = arith.constant 0 : i32
    %dma_wait3A_101 = tpu.memref_slice %dma_wait3A_98[%dma_wait3A_99, %dma_wait3A_100] : memref<100000x8xf32, #tpu.memory_space<hbm>> -> memref<100000x8xf32, #tpu.memory_space<hbm>>
    tpu.wait_indirect_dma semaphore(%arg9 : memref<!tpu.dma_semaphore, #tpu.memory_space<semaphore_mem>>) src(%dma_wait3A_101 : memref<100000x8xf32, #tpu.memory_space<hbm>>) dst(%arg7 : memref<4096x8xf32, #tpu.memory_space<vmem>>)
    %add3A_102 = arith.constant 98304 : i32
    %add3A_103 = arith.addi %mul3A_2, %add3A_102 : i32
    "tpu.region"() ({
      %run_scoped3A = tpu.sem_alloc : memref<!tpu.dma_semaphore, #tpu.memory_space<semaphore_mem>>
      %dma_start3A_110 = arith.constant 0 : i32
      %dma_start3A_111 = tpu.memref_slice %arg4[%add3A_103, %dma_start3A_110] : memref<3276800x8xf32, #tpu.memory_space<hbm>> -> memref<4096x8xf32, #tpu.memory_space<hbm>>
      %dma_start3A_112 = arith.constant 0 : i32
      %dma_start3A_113 = tpu.memref_slice %arg4[%add3A_103, %dma_start3A_112] : memref<3276800x8xf32, #tpu.memory_space<hbm>> -> memref<4096x8xf32, #tpu.memory_space<hbm>>
      tpu.enqueue_dma source(%arg7 : memref<4096x8xf32, #tpu.memory_space<vmem>>) target(%dma_start3A_113 : memref<4096x8xf32, #tpu.memory_space<hbm>>) target_semaphore(%run_scoped3A : memref<!tpu.dma_semaphore, #tpu.memory_space<semaphore_mem>>)
      %dma_wait3A_114 = arith.constant 0 : i32
      %dma_wait3A_115 = tpu.memref_slice %arg4[%add3A_103, %dma_wait3A_114] : memref<3276800x8xf32, #tpu.memory_space<hbm>> -> memref<4096x8xf32, #tpu.memory_space<hbm>>
      %dma_wait3A_116 = arith.constant 0 : i32
      %dma_wait3A_117 = tpu.memref_slice %arg4[%add3A_103, %dma_wait3A_116] : memref<3276800x8xf32, #tpu.memory_space<hbm>> -> memref<4096x8xf32, #tpu.memory_space<hbm>>
      tpu.wait_dma2 semaphore(%run_scoped3A : memref<!tpu.dma_semaphore, #tpu.memory_space<semaphore_mem>>) src(%arg7 : memref<4096x8xf32, #tpu.memory_space<vmem>>) dst(%dma_wait3A_117 : memref<4096x8xf32, #tpu.memory_space<hbm>>)
      tpu.yield
    }) : () -> ()
    %add3A_104 = arith.constant 94208 : i32
    %add3A_105 = arith.addi %mul3A_2, %add3A_104 : i32
    %dma_wait3A_106 = arith.constant 0 : i32
    %dma_wait3A_107 = tpu.memref_slice %arg4[%add3A_105, %dma_wait3A_106] : memref<3276800x8xf32, #tpu.memory_space<hbm>> -> memref<4096x8xf32, #tpu.memory_space<hbm>>
    %dma_wait3A_108 = arith.constant 0 : i32
    %dma_wait3A_109 = tpu.memref_slice %arg4[%add3A_105, %dma_wait3A_108] : memref<3276800x8xf32, #tpu.memory_space<hbm>> -> memref<4096x8xf32, #tpu.memory_space<hbm>>
    tpu.wait_dma2 semaphore(%arg12 : memref<!tpu.dma_semaphore, #tpu.memory_space<semaphore_mem>>) src(%arg8 : memref<4096x8xf32, #tpu.memory_space<vmem>>) dst(%dma_wait3A_109 : memref<4096x8xf32, #tpu.memory_space<hbm>>)
    return
  }
}

</mosaic_0001>

<sc_bundles>
// kernel: kernel.3.cloned.1.call-start
scs
__scs_entry_jumppad:
0x0: {  	(pc) =	sbr.rel $0x88, $3  }
0x1: {  	(tag) =	ssettag $0x0;
	lr =	simm.s32 $0x1  }
0x2: {  	[smem:$0x3F9F] =	sst lr;
	_ =	strace $0xD0000000  }
0x3: {  	_ = 	snop  }
0x4: {  	_ = 	snop  }
0x5: {  	_ = 	snop  }
0x6: {  	_ = 	snop  }
0x7: {  	_ = 	snop  }
__scs_overlays_trampoline_lowered:
0x8: {  	[smem:$0x3FAE] =	sst s0  }
0x9: {  	[smem:$0x3FAF] =	sst s1  }
0xa: {  	[smem:$0x3FB0] =	sst s2  }
0xb: {  	[smem:$0x3FB1] =	sst s3  }
0xc: {  	[smem:$0x3FB2] =	sst s4  }
0xd: {  	[smem:$0x3FB3] =	sst s5  }
0xe: {  	[smem:$0x3FB4] =	sst s6  }
0xf: {  	[smem:$0x3FB5] =	sst s7  }
0x10: {  	[smem:$0x3FB6] =	sst s8  }
0x11: {  	[smem:$0x3FB7] =	sst s9;
	s0 =	simm.s32 @!p0 $0x0  }
0x12: {  	s1 =	sld [smem:$0x3F9D];
	s0 =	simm.s32 @p0 $0x1  }
0x13: {  	[smem:$0x3FB8] =	sst s0;
	s0 =	simm.s32 @!p1 $0x0  }
0x14: {  	s2 =	sld [smem:$0x3F9C];
	s0 =	simm.s32 @p1 $0x1  }
0x15: {  	[smem:$0x3FB9] =	sst s0;
	s0 =	simm.s32 @!p2 $0x0  }
0x16: {  	s3 =	sld [smem:$0x3FDB];
	s0 =	simm.s32 @p2 $0x1  }
0x17: {  	s4 =	simm.s32 $0x1BF5;
	[smem:$0x3FBB] =	sst s0  }
0x18: {  	s0 =	sld [smem:$0x3F9E];
	_ =	swait.ge [sflag:s4], $0x0  }
0x19: {  	s7 =	sld [smem:$0x3F9F]  }
0x1a: {  	s8 =	sadd.s32 $0xFFFFE003, lr  }
0x1b: {  	s9 =	sadd.s32 $0xFFFFFEF7, lr;
	s5 =	simm.s32 $0xFFFFFFFF;
	p2 =	slt.u32 s8, $0xFFFFF086  }
0x1c: {  	p1 =	slt.u32 s9, $0xF7A;
	s5 =	simm.s32 @!p2 $0x0  }
0x1d: {  	s5 =	simm.s32 @p1 $0x1;
	p0 =	seq.s32 s7, s2  }
0x1e: {  	s7 =	smul.u32 @!p0 $0xF7A, s2;
	p2 =	seq.s32 @!p0 s5, $0x0  }
0x1f: {  	s9 =	smul.u32 $0xF7A, s1;
	s8 =	simm.s32 @!p0 $0x1BF5;
	p2 =	por !p2, p0  }
0x20: {  	[sflag:s8] =	ssyncset.s32 @!p0 $0xFFFFF086;
	s6 =	sadd.s32 @!p0 s3, s7;
	s7 =	simm.s32 @!p0 $0x108  }
0x21: {  	s3 =	sadd.s32 s3, s9;
	s6 =	sadd.s32 @!p0 $0x88, s6;
	s7 =	simm.s32 @p2 $0x1082  }
0x22: {  	[simem:s7], [sflag:s8] =	dma.local @!p0 [hbm:s6], $0xF7A  }
0x23: {  	s9 =	sor.u32 $0xD0000000, s2;
	s6 =	simm.s32 $0x108;
	_ =	swait.ge @!p0 [sflag:s8], $0x0  }
0x24: {  	s3 =	sadd.s32 $0x88, s3;
	s6 =	simm.s32 @!p1 $0x1082;
	[sflag:s4] =	ssyncset.s32 $0xFFFFF086  }
0x25: {  	[simem:s6], [sflag:s4] =	dma.local [hbm:s3], $0xF7A  }
0x26: {  	[smem:$0x3F9F] =	sst s1;
	(tag) =	ssettag s2;
	_ =	strace s9  }
0x27: {  	s1 =	sld [smem:$0x3FAF]  }
0x28: {  	s2 =	sld [smem:$0x3FB0]  }
0x29: {  	s4 =	sld [smem:$0x3FB2]  }
0x2a: {  	p0 =	seq.s32 s5, $0x0;
	s5 =	sld [smem:$0x3FB3]  }
0x2b: {  	s6 =	sld [smem:$0x3FB4]  }
0x2c: {  	s7 =	sld [smem:$0x3FB5]  }
0x2d: {  	s3 =	simm.s32 $0x108;
	s8 =	sld [smem:$0x3FB6]  }
0x2e: {  	s3 =	simm.s32 @!p0 $0x1082;
	s9 =	sld [smem:$0x3FB7]  }
0x2f: {  	lr =	sadd.s32 s0, s3;
	s0 =	sld [smem:$0x3FAE]  }
0x30: {  	s3 =	sld [smem:$0x3FB1]  }
0x31: {  	[smem:$0x3FBA] =	sst s10  }
0x32: {  	s10 =	sld [smem:$0x3FB8];
	_ =	sdelay $0x3  }
0x33: {  	p0 =	seq.s32 s10, $0x1;
	s10 =	sld [smem:$0x3FBA];
	_ =	sdelay $0x3  }
0x34: {  	[smem:$0x3FBA] =	sst s10  }
0x35: {  	s10 =	sld [smem:$0x3FB9];
	_ =	sdelay $0x3  }
0x36: {  	p1 =	seq.s32 s10, $0x1;
	s10 =	sld [smem:$0x3FBA];
	_ =	sdelay $0x3  }
0x37: {  	[smem:$0x3FBA] =	sst s10  }
0x38: {  	s10 =	sld [smem:$0x3FBB]  }
0x39: {  	_ = 	snop;
	(pc) =	sbr.ind lr, $3  }
0x3a: {  	_ = 	snop  }
0x3b: {  	_ = 	snop  }
0x3c: {  	p2 =	seq.s32 s10, $0x1;
	s10 =	sld [smem:$0x3FBA]  }
0x3d: {  	_ =	shalt  }
0x3e: {  	_ =	shalt  }
0x3f: {  	_ =	shalt  }
0x40: {  	_ =	shalt  }
0x41: {  	_ =	shalt  }
0x42: {  	_ =	shalt  }
0x43: {  	_ =	shalt  }
0x44: {  	_ =	shalt  }
0x45: {  	_ =	shalt  }
0x46: {  	_ =	shalt  }
0x47: {  	_ =	shalt  }
0x48: {  	_ =	shalt  }
0x49: {  	_ =	shalt  }
0x4a: {  	_ =	shalt  }
0x4b: {  	_ =	shalt  }
0x4c: {  	_ =	shalt  }
0x4d: {  	_ =	shalt  }
0x4e: {  	_ =	shalt  }
0x4f: {  	_ =	shalt  }
0x50: {  	_ =	shalt  }
0x51: {  	_ =	shalt  }
0x52: {  	_ =	shalt  }
0x53: {  	_ =	shalt  }
0x54: {  	_ =	shalt  }
0x55: {  	_ =	shalt  }
0x56: {  	_ =	shalt  }
0x57: {  	_ =	shalt  }
0x58: {  	_ =	shalt  }
0x59: {  	_ =	shalt  }
0x5a: {  	_ =	shalt  }
0x5b: {  	_ =	shalt  }
0x5c: {  	_ =	shalt  }
0x5d: {  	_ =	shalt  }
0x5e: {  	_ =	shalt  }
0x5f: {  	_ =	shalt  }
0x60: {  	_ =	shalt  }
0x61: {  	_ =	shalt  }
0x62: {  	_ =	shalt  }
0x63: {  	_ =	shalt  }
0x64: {  	_ =	shalt  }
0x65: {  	_ =	shalt  }
0x66: {  	_ =	shalt  }
0x67: {  	_ =	shalt  }
0x68: {  	_ =	shalt  }
0x69: {  	_ =	shalt  }
0x6a: {  	_ =	shalt  }
0x6b: {  	_ =	shalt  }
0x6c: {  	_ =	shalt  }
0x6d: {  	_ =	shalt  }
0x6e: {  	_ =	shalt  }
0x6f: {  	_ =	shalt  }
0x70: {  	_ =	shalt  }
0x71: {  	_ =	shalt  }
0x72: {  	_ =	shalt  }
0x73: {  	_ =	shalt  }
0x74: {  	_ =	shalt  }
0x75: {  	_ =	shalt  }
0x76: {  	_ =	shalt  }
0x77: {  	_ =	shalt  }
0x78: {  	_ =	shalt  }
0x79: {  	_ =	shalt  }
0x7a: {  	_ =	shalt  }
0x7b: {  	_ =	shalt  }
0x7c: {  	_ =	shalt  }
0x7d: {  	_ =	shalt  }
0x7e: {  	_ =	shalt  }
0x7f: {  	_ =	shalt  }
0x80: {  	_ =	shalt  }
0x81: {  	_ =	shalt  }
0x82: {  	_ =	shalt  }
0x83: {  	_ =	shalt  }
0x84: {  	_ =	shalt  }
0x85: {  	_ =	shalt  }
0x86: {  	_ =	shalt  }
0x87: {  	_ =	shalt  }
.Lfunc_end0:
.L_simem_size_0:
called_computation.1_lowered:
.L_overlay_start_0:
0x88: {  	s2 =	sld [smem:$0x3FD9]  }
0x89: {  	s3 =	sld [smem:$0x3FFE];
	_ =	sdelay $0x1  }
0x8a: {  	s1 =	srdreg.scid  }
0x8b: {  	s0 =	sand.u32 $0x1, s1  }
0x8c: {  	s17 =	sshll.u32 s0, $0xA;
	s2 =	sadd.s32 s3, s2  }
0x8d: {  	s2 =	sadd.s32 s2, s17  }
0x8e: {  	[smem:$0x3FC6] =	sst s2  }
0x8f: {  	_ = 	snop  }
0x90: {  	s2 =	sld [smem:$0x3FD0];
	(tm) =	ssettm $0x1  }
0x91: {  	s18 =	sld [smem:$0x3FFB];
	_ =	sdelay $0x3  }
0x92: {  	_ =	strace s18  }
0x93: {  	s3 =	sld [smem:$0x3FFC];
	_ =	sdelay $0x3  }
0x94: {  	_ =	strace s3  }
0x95: {  	s3 =	sld [smem:$0x3FFD];
	_ =	sdelay $0x3  }
0x96: {  	_ =	strace s3  }
0x97: {  	_ =	strace $0x8FFFFFFF  }
0x98: {  	s19 =	sld [smem:$0x3FDB];
	_ =	sdelay $0x1  }
0x99: {  	s4 =	simm.s32 $_scs_section_size  }
0x9a: {  	s5 =	simm.s32 $_size__tile_overlayer_lowered;
	s6 =	simm.s32 $_tile_overlayer_lowered  }
0x9b: {  	s22 =	simm.s32 $0x1BFF;
	s21 =	sshll.u32 s6, $0x1;
	s3 =	sadd.s32 s4, s19  }
0x9c: {  	s7 =	simm.s32 $0x0;
	s20 =	sshll.u32 s5, $0x1;
	s5 =	sadd.s32 s21, s3  }
0x9d: {  	[timem:s7], [sflag:s22] =	dma.local [hbm:s5], s20  }
0x9e: {  	_ =	swait.ge [sflag:s22], s20  }
0x9f: {  	s4 =	ssub.s32 $0x0, s20;
	[sflag:s22] =	ssyncset.done $0x0  }
0xa0: {  	[sflag:s22] =	ssyncadd.s32 s4;
	_ =	sdelay $0x1  }
0xa1: {  	s23 =	simm.s32 $0x1B8B  }
0xa2: {  	_ =	swait.ge [sflag:s23], $0x1  }
0xa3: {  	[sflag:s23] =	ssyncset.done $0x0  }
0xa4: {  	s25 =	simm.s32 $0x1B8E;
	s24 =	sld [smem:$0x3FFE];
	[sflag:s23] =	ssyncadd.s32 $0xFFFFFFFF  }
0xa5: {  	s26 =	simm.s32 $execute0_lowered;
	[smem:$0x3FD2] =	sst s25  }
0xa6: {  	s5 =	sshll.u32 s26, $0x1;
	_ =	strace $0x80000046;
	[dreg:$0x1] =	wrdreg $0xFFFFFFFF  }
0xa7: {  	s28 =	simm.s32 $_size_execute0_lowered;
	s3 =	sadd.s32 s3, s5;
	[dreg:$0x0] =	wrdreg $0x0  }
0xa8: {  	s5 =	sshll.u32 s28, $0x1;
	[dreg:$0x2] =	wrdreg s3  }
0xa9: {  	[dreg:$0x3] =	wrdreg s5  }
0xaa: {  	[dreg:$0x4] =	wrdreg $0xC0  }
0xab: {  	_ =	task [dreg:s7], $0x5FFFF  }
0xac: {  	[dreg:$0x1] =	wrdreg $0xFFFFFFFF  }
0xad: {  	[dreg:$0x0] =	wrdreg $0x60  }
0xae: {  	[dreg:$0x2] =	wrdreg s24  }
0xaf: {  	[dreg:$0x3] =	wrdreg s2  }
0xb0: {  	[dreg:$0x4] =	wrdreg $0x9  }
0xb1: {  	_ =	task.clear_ibuf [dreg:s7], $0x5FFFF;
	_ =	strace $0x90000046  }
0xb2: {  	s29 =	simm.s32 $0x9;
	_ =	strace $0x80000048  }
0xb3: {  	_ =	swait.ge [sflag:s29], $0x1  }
0xb4: {  	[sflag:s29] =	ssyncadd.s32 $0xFFFFFFFF  }
0xb5: {  	_ =	strace $0x90000048  }
0xb6: {  	_ =	sfence  }
0xb7: {  	s30 =	sld [smem:$0x0];
	_ =	sdelay $0x2  }
0xb8: {  	s31 =	sshll.u32 s1, $0xD;
	s1 =	sshrl.u32 s1, $0x2  }
0xb9: {  	s3 =	sand.u32 $0x4000, s31;
	s1 =	sadd.s32 s1, s30  }
0xba: {  	s0 =	sor.u32 s3, s0;
	s1 =	sshll.u32 s1, $0x11  }
0xbb: {  	s0 =	sor.u32 s1, s0  }
0xbc: {  	s0 =	sadd.s32 $0x8F2B, s0  }
0xbd: {  	[sflag:s0] =	ssyncadd.remote.s32 $0x1  }
0xbe: {  	_ =	sfence.sel $0xFFFF  }
0xbf: {  	[dreg:$0x0] =	wrdreg $0xFFFFFFFF;
	(pc) =	sbr.abs _section_cstart, $3  }
0xc0: {  	[dreg:$0x1] =	wrdreg $0xFFFFFFFF  }
0xc1: {  	_ =	task.clear_ibuf [dreg:s7], $0x2FFFF;
	_ =	strace $0x9FFFFFFF  }
0xc2: {  	(tm) =	ssettm $0x7FFFFFFF  }
0xc3: {  	_ =	shalt  }
tec
execute0_lowered:
.L_overlay_start_1:
0x0: {  	(tag) =	ssettag $0x1  }
0x1: {  	s5 =	rddreg [dreg:$0x0]  }
0x2: {  	s2 =	rddreg [dreg:$0x1]  }
0x3: {  	s3 =	simm.s32 $0x0;
	s4 =	srdreg.scid;
	s1 =	stileid.u32  }
0x4: {  	s17 =	simm.s32 $0x5;
	s18 =	simm.s32 $0x1000;
	s19 =	simm.s32 $0x2000  }
0x5: {  	s20 =	simm.s32 $0xA000;
	s6 =	sand.u32 $0x1, s4;
	s28 =	sshll.u32 s1, $0x1  }
0x6: {  	s21 =	simm.s32 $0x1;
	s22 =	simm.s32 $0x3;
	s7 =	sor.u32 s6, s28  }
0x7: {  	s23 =	simm.s32 $0x2;
	s24 =	simm.s32 $0x4;
	s10 =	smul.u32 $0x19000, s7  }
0x8: {  	s25 =	simm.s32 $0x0;
	[smem:$0x7FF] =	sst s3;
	s11 =	smul.u32 $0x19, s7  }
0x9: {  	s4 =	sadd.s32 $0x380A00, s5;
	s8 =	ssub.s32 $0x2, s6;
	s9 =	smul.u32 $0x3200, s7  }
0xa: {  	s5 =	sadd.s32 $0x186AA00, s5;
	s13 =	sshrl.u32 s8, $0x1;
	s6 =	smul.u32 $0xC8000, s7  }
0xb: {  	_ =	strace $0x80000047;
	s16 =	ssub.s32 s8, s13;
	s12 =	sadd.s32 $0x1000, s10  }
0xc: {  	s7 =	sadd.s32 s4, s9;
	s9 =	sadd.s32 $0x2, s11;
	s29 =	sshrl.u32 s6, $0x3  }
0xd: {  	s30 =	sshrl.u32 s10, $0x3;
	s11 =	sadd.s32 $0x3, s11;
	s16 =	smax.u32 s16, $0x1  }
0xe: {  	v0 =	vlaneseq.u32;
	s14 =	sshrl.u32 s12, $0x3;
	s10 =	sadd.s32 s2, s12;
	s15 =	sadd.s32 s2, s29  }
0xf: {  	v0 =	vmul.u32 $0x186A0, v0;
	s31 =	sadd.s32 s4, s30;
	s8 =	sadd.s32 s4, s14;
	s12 =	sadd.s32 $0x16000, s15  }
0x10: {  	s13 =	sadd.s32 $0x3000, s31;
	s14 =	sadd.s32 $0x17000, s15;
	s15 =	sadd.s32 $0x18000, s15  }
.LBB2_1:
0x11: {  	[tilespmem:s3], [sflag:$0x5] =	stream.linear.gather [hbm4b:s7+s3], $0x1000, $0x38;
	[tilespmem:$0x12000] =	vst v63  }
0x12: {  	_ =	swait.ge [sflag:s17], $0x1000  }
0x13: {  	[sflag:s17] =	ssyncset.done $0x0  }
0x14: {  	s26 =	simm.s32 $0x0;
	[sflag:s17] =	ssyncadd.s32 $0xFFFFF000  }
0x15: {  	v3 =	vld [tilespmem:s26+$0x0]  }
0x16: {  	v5 =	vld [tilespmem:s26+$0x10]  }
0x17: {  	v4 =	vld [tilespmem:s26+$0x20]  }
0x18: {  	v2 =	vld [tilespmem:s26+$0x30]  }
0x19: {  	v1 =	vld [tilespmem:s26+$0x40]  }
0x1a: {  	v6 =	vadd.s32 v0, v3;
	v3 =	vld [tilespmem:s26+$0x50]  }
0x1b: {  	s28 =	simm.s32 $0x200;
	[tilespmem:s26+$0x0] =	vst v6;
	v6 =	vadd.s32 v0, v5;
	v5 =	vld [tilespmem:s26+$0x60]  }
.LBB2_2:
0x1c: {  	s29 =	sshra.s32 s28, $0x2;
	p0 =	sne.s32 s28, $0x3E00;
	[tilespmem:s26+$0x10] =	vst v6;
	v4 =	vadd.s32 v0, v4;
	v6 =	vld [tilespmem:s26+$0x70]  }
0x1d: {  	v7 =	vld [tilespmem:s29+$0x0];
	[tilespmem:s26+$0x20] =	vst v4;
	v2 =	vadd.s32 v0, v2  }
0x1e: {  	v8 =	vld [tilespmem:s29+$0x10];
	[tilespmem:s26+$0x30] =	vst v2;
	v1 =	vadd.s32 v0, v1  }
.Ltmp0:
0x1f: {  	v4 =	vld [tilespmem:s29+$0x20];
	[tilespmem:s26+$0x40] =	vst v1;
	v1 =	vadd.s32 v0, v3;
	(pc) =	sbr.rel @p0 .LBB2_2-.Ltmp0, $4  }
0x20: {  	v2 =	vld [tilespmem:s29+$0x30];
	[tilespmem:s26+$0x50] =	vst v1;
	v3 =	vadd.s32 v0, v5  }
0x21: {  	v1 =	vld [tilespmem:s29+$0x40];
	[tilespmem:s26+$0x60] =	vst v3;
	v5 =	vadd.s32 v0, v6  }
0x22: {  	v6 =	vadd.s32 v0, v7;
	v3 =	vld [tilespmem:s29+$0x50];
	[tilespmem:s26+$0x70] =	vst v5;
	s26 =	smov.u32 s29  }
0x23: {  	s28 =	sadd.s32 $0x200, s28;
	[tilespmem:s26+$0x0] =	vst v6;
	v6 =	vadd.s32 v0, v8;
	v5 =	vld [tilespmem:s26+$0x60]  }
0x24: {  	[tilespmem:s26+$0x10] =	vst v6;
	v4 =	vadd.s32 v0, v4;
	v6 =	vld [tilespmem:s26+$0x70]  }
0x25: {  	[tilespmem:s26+$0x20] =	vst v4;
	v2 =	vadd.s32 v0, v2  }
0x26: {  	[tilespmem:s26+$0x30] =	vst v2;
	v1 =	vadd.s32 v0, v1  }
0x27: {  	[tilespmem:s26+$0x40] =	vst v1;
	v1 =	vadd.s32 v0, v3  }
0x28: {  	[tilespmem:s26+$0x50] =	vst v1;
	v1 =	vadd.s32 v0, v5  }
0x29: {  	[tilespmem:s26+$0x60] =	vst v1;
	v1 =	vadd.s32 v0, v6  }
0x2a: {  	s31 =	simm.s32 $0x0;
	[tilespmem:s26+$0x70] =	vst v1  }
0x2b: {  	[tilespmem:s19], [sflag:$0x1] =	stream.indirect.gather [hbm4b:s5+s18], $0x8, s31, s18, $0xb8;
	[tilespmem:$0x12000] =	vst v63  }
0x2c: {  	_ = 	snop  }
0x2d: {  	[tilespmem:s18], [sflag:$0x5] =	stream.linear.gather [hbm4b:s8+s31], $0x1000, $0x38;
	[tilespmem:$0x12000] =	vst v63  }
0x2e: {  	_ =	swait.ge [sflag:s17], $0x1000  }
0x2f: {  	[sflag:s17] =	ssyncset.done $0x0  }
0x30: {  	s26 =	simm.s32 $0x0;
	[sflag:s17] =	ssyncadd.s32 $0xFFFFF000  }
0x31: {  	v3 =	vld [tilespmem:s26+$0x1000]  }
0x32: {  	v5 =	vld [tilespmem:s26+$0x1010]  }
0x33: {  	v4 =	vld [tilespmem:s26+$0x1020]  }
0x34: {  	v2 =	vld [tilespmem:s26+$0x1030]  }
0x35: {  	v1 =	vld [tilespmem:s26+$0x1040]  }
0x36: {  	v6 =	vadd.s32 v0, v3;
	v3 =	vld [tilespmem:s26+$0x1050]  }
0x37: {  	s28 =	simm.s32 $0x200;
	[tilespmem:s26+$0x1000] =	vst v6;
	v6 =	vadd.s32 v0, v5;
	v5 =	vld [tilespmem:s26+$0x1060]  }
.LBB2_4:
0x38: {  	s29 =	sshra.s32 s28, $0x2;
	p0 =	sne.s32 s28, $0x3E00;
	[tilespmem:s26+$0x1010] =	vst v6;
	v4 =	vadd.s32 v0, v4;
	v6 =	vld [tilespmem:s26+$0x1070]  }
0x39: {  	v7 =	vld [tilespmem:s29+$0x1000];
	[tilespmem:s26+$0x1020] =	vst v4;
	v2 =	vadd.s32 v0, v2  }
0x3a: {  	v8 =	vld [tilespmem:s29+$0x1010];
	[tilespmem:s26+$0x1030] =	vst v2;
	v1 =	vadd.s32 v0, v1  }
.Ltmp1:
0x3b: {  	v4 =	vld [tilespmem:s29+$0x1020];
	[tilespmem:s26+$0x1040] =	vst v1;
	v1 =	vadd.s32 v0, v3;
	(pc) =	sbr.rel @p0 .LBB2_4-.Ltmp1, $4  }
0x3c: {  	v2 =	vld [tilespmem:s29+$0x1030];
	[tilespmem:s26+$0x1050] =	vst v1;
	v3 =	vadd.s32 v0, v5  }
0x3d: {  	v1 =	vld [tilespmem:s29+$0x1040];
	[tilespmem:s26+$0x1060] =	vst v3;
	v5 =	vadd.s32 v0, v6  }
0x3e: {  	v6 =	vadd.s32 v0, v7;
	v3 =	vld [tilespmem:s29+$0x1050];
	[tilespmem:s26+$0x1070] =	vst v5;
	s26 =	smov.u32 s29  }
0x3f: {  	s28 =	sadd.s32 $0x200, s28;
	[tilespmem:s26+$0x1000] =	vst v6;
	v6 =	vadd.s32 v0, v8;
	v5 =	vld [tilespmem:s26+$0x1060]  }
0x40: {  	[tilespmem:s26+$0x1010] =	vst v6;
	v4 =	vadd.s32 v0, v4;
	v63 =	vld [tilespmem:s26+$0x1070]  }
0x41: {  	[tilespmem:s26+$0x1020] =	vst v4;
	v2 =	vadd.s32 v0, v2  }
0x42: {  	[tilespmem:s26+$0x1030] =	vst v2;
	v1 =	vadd.s32 v0, v1  }
0x43: {  	[tilespmem:s26+$0x1040] =	vst v1;
	v1 =	vadd.s32 v0, v3  }
0x44: {  	[tilespmem:s26+$0x1050] =	vst v1;
	v1 =	vadd.s32 v0, v5  }
0x45: {  	[tilespmem:s26+$0x1060] =	vst v1;
	v1 =	vadd.s32 v0, v63  }
0x46: {  	s28 =	simm.s32 $0x0;
	[tilespmem:s26+$0x1070] =	vst v1;
	s26 =	simm.s32 $0x0  }
0x47: {  	[tilespmem:s20], [sflag:$0x2] =	stream.indirect.gather [hbm4b:s5+s18], $0x8, s18, s18, $0xb8;
	[tilespmem:$0x12000] =	vst v63  }
.LBB2_6:
0x48: {  	s29 =	sshll.u32 s28, $0x10  }
0x49: {  	_ =	swait.ge [sflag:s21], $0x8000;
	s29 =	sadd.s32 s6, s29  }
0x4a: {  	[sflag:s21] =	ssyncset.done $0x0;
	s30 =	sshrl.u32 s29, $0x3  }
0x4b: {  	s29 =	sshll.u32 s28, $0x1;
	[sflag:s21] =	ssyncadd.s32 $0xFFFF8000;
	s30 =	sadd.s32 s2, s30  }
0x4c: {  	[hbm4b:s30+s26] =	stream.linear.scatter [tilespmem:s19], [sflag:$0x3], $0x8000, $0x38;
	[tilespmem:$0x12000] =	vst v63  }
0x4d: {  	s30 =	sadd.s32 s29, s9  }
0x4e: {  	s30 =	sshll.u32 s30, $0x9  }
0x4f: {  	s30 =	sand.u32 $0x1FFFFE00, s30  }
0x50: {  	s30 =	sadd.s32 s4, s30  }
0x51: {  	[tilespmem:s26], [sflag:$0x5] =	stream.linear.gather [hbm4b:s30+s26], $0x1000, $0x38;
	[tilespmem:$0x12000] =	vst v63  }
0x52: {  	_ =	swait.ge [sflag:s17], $0x1000  }
0x53: {  	[sflag:s17] =	ssyncset.done $0x0  }
0x54: {  	s30 =	simm.s32 $0x0;
	[sflag:s17] =	ssyncadd.s32 $0xFFFFF000  }
0x55: {  	v3 =	vld [tilespmem:s30+$0x0]  }
0x56: {  	v5 =	vld [tilespmem:s30+$0x10]  }
0x57: {  	v4 =	vld [tilespmem:s30+$0x20]  }
0x58: {  	v2 =	vld [tilespmem:s30+$0x30]  }
0x59: {  	v1 =	vld [tilespmem:s30+$0x40]  }
0x5a: {  	v6 =	vadd.s32 v0, v3;
	v3 =	vld [tilespmem:s30+$0x50]  }
0x5b: {  	s31 =	simm.s32 $0x200;
	[tilespmem:s30+$0x0] =	vst v6;
	v6 =	vadd.s32 v0, v5;
	v5 =	vld [tilespmem:s30+$0x60]  }
.LBB2_7:
0x5c: {  	s0 =	sshra.s32 s31, $0x2;
	p0 =	sne.s32 s31, $0x3E00;
	[tilespmem:s30+$0x10] =	vst v6;
	v4 =	vadd.s32 v0, v4;
	v6 =	vld [tilespmem:s30+$0x70]  }
0x5d: {  	v7 =	vld [tilespmem:s0+$0x0];
	[tilespmem:s30+$0x20] =	vst v4;
	v2 =	vadd.s32 v0, v2  }
0x5e: {  	v8 =	vld [tilespmem:s0+$0x10];
	[tilespmem:s30+$0x30] =	vst v2;
	v1 =	vadd.s32 v0, v1  }
.Ltmp2:
0x5f: {  	v4 =	vld [tilespmem:s0+$0x20];
	[tilespmem:s30+$0x40] =	vst v1;
	v1 =	vadd.s32 v0, v3;
	(pc) =	sbr.rel @p0 .LBB2_7-.Ltmp2, $4  }
0x60: {  	v2 =	vld [tilespmem:s0+$0x30];
	[tilespmem:s30+$0x50] =	vst v1;
	v3 =	vadd.s32 v0, v5  }
0x61: {  	v1 =	vld [tilespmem:s0+$0x40];
	[tilespmem:s30+$0x60] =	vst v3;
	v5 =	vadd.s32 v0, v6  }
0x62: {  	v6 =	vadd.s32 v0, v7;
	v3 =	vld [tilespmem:s0+$0x50];
	[tilespmem:s30+$0x70] =	vst v5;
	s30 =	smov.u32 s0  }
0x63: {  	s31 =	sadd.s32 $0x200, s31;
	[tilespmem:s30+$0x0] =	vst v6;
	v6 =	vadd.s32 v0, v8;
	v5 =	vld [tilespmem:s30+$0x60]  }
0x64: {  	[tilespmem:s30+$0x10] =	vst v6;
	v4 =	vadd.s32 v0, v4;
	v6 =	vld [tilespmem:s30+$0x70]  }
0x65: {  	[tilespmem:s30+$0x20] =	vst v4;
	v2 =	vadd.s32 v0, v2  }
0x66: {  	[tilespmem:s30+$0x30] =	vst v2;
	v1 =	vadd.s32 v0, v1  }
0x67: {  	[tilespmem:s30+$0x40] =	vst v1;
	v1 =	vadd.s32 v0, v3  }
0x68: {  	[tilespmem:s30+$0x50] =	vst v1;
	v1 =	vadd.s32 v0, v5  }
0x69: {  	[tilespmem:s30+$0x60] =	vst v1;
	v1 =	vadd.s32 v0, v6  }
0x6a: {  	[tilespmem:s30+$0x70] =	vst v1  }
0x6b: {  	_ =	swait.ge [sflag:s22], $0x8000  }
0x6c: {  	[sflag:s22] =	ssyncset.done $0x0  }
0x6d: {  	s0 =	simm.s32 $0x0;
	[sflag:s22] =	ssyncadd.s32 $0xFFFF8000  }
0x6e: {  	[tilespmem:s19], [sflag:$0x1] =	stream.indirect.gather [hbm4b:s5+s18], $0x8, s0, s18, $0xb8;
	[tilespmem:$0x12000] =	vst v63  }
0x6f: {  	s29 =	sadd.s32 s29, s11;
	_ =	swait.ge [sflag:s23], $0x8000  }
0x70: {  	s29 =	sshll.u32 s29, $0x9;
	s30 =	sshll.u32 s28, $0xD;
	[sflag:s23] =	ssyncset.done $0x0  }
0x71: {  	s29 =	sand.u32 $0x1FFFFE00, s29;
	s30 =	sadd.s32 s30, s10;
	[sflag:s23] =	ssyncadd.s32 $0xFFFF8000  }
0x72: {  	[hbm4b:s30+s0] =	stream.linear.scatter [tilespmem:s20], [sflag:$0x4], $0x8000, $0x38;
	[tilespmem:$0x12000] =	vst v63  }
0x73: {  	s29 =	sadd.s32 s4, s29  }
0x74: {  	[tilespmem:s18], [sflag:$0x5] =	stream.linear.gather [hbm4b:s29+s0], $0x1000, $0x38;
	[tilespmem:$0x12000] =	vst v63  }
0x75: {  	_ =	swait.ge [sflag:s17], $0x1000  }
0x76: {  	[sflag:s17] =	ssyncset.done $0x0  }
0x77: {  	s29 =	simm.s32 $0x0;
	[sflag:s17] =	ssyncadd.s32 $0xFFFFF000  }
0x78: {  	v3 =	vld [tilespmem:s29+$0x1000]  }
0x79: {  	v5 =	vld [tilespmem:s29+$0x1010]  }
0x7a: {  	v4 =	vld [tilespmem:s29+$0x1020]  }
0x7b: {  	v2 =	vld [tilespmem:s29+$0x1030]  }
0x7c: {  	v1 =	vld [tilespmem:s29+$0x1040]  }
0x7d: {  	v6 =	vadd.s32 v0, v3;
	v3 =	vld [tilespmem:s29+$0x1050]  }
0x7e: {  	s30 =	simm.s32 $0x200;
	[tilespmem:s29+$0x1000] =	vst v6;
	v6 =	vadd.s32 v0, v5;
	v5 =	vld [tilespmem:s29+$0x1060]  }
.LBB2_9:
0x7f: {  	s0 =	sshra.s32 s30, $0x2;
	p0 =	sne.s32 s30, $0x3E00;
	[tilespmem:s29+$0x1010] =	vst v6;
	v4 =	vadd.s32 v0, v4;
	v6 =	vld [tilespmem:s29+$0x1070]  }
0x80: {  	v7 =	vld [tilespmem:s0+$0x1000];
	[tilespmem:s29+$0x1020] =	vst v4;
	v2 =	vadd.s32 v0, v2  }
0x81: {  	v8 =	vld [tilespmem:s0+$0x1010];
	[tilespmem:s29+$0x1030] =	vst v2;
	v1 =	vadd.s32 v0, v1  }
.Ltmp3:
0x82: {  	v4 =	vld [tilespmem:s0+$0x1020];
	[tilespmem:s29+$0x1040] =	vst v1;
	v1 =	vadd.s32 v0, v3;
	(pc) =	sbr.rel @p0 .LBB2_9-.Ltmp3, $4  }
0x83: {  	v2 =	vld [tilespmem:s0+$0x1030];
	[tilespmem:s29+$0x1050] =	vst v1;
	v3 =	vadd.s32 v0, v5  }
0x84: {  	v1 =	vld [tilespmem:s0+$0x1040];
	[tilespmem:s29+$0x1060] =	vst v3;
	v5 =	vadd.s32 v0, v6  }
0x85: {  	v6 =	vadd.s32 v0, v7;
	v3 =	vld [tilespmem:s0+$0x1050];
	[tilespmem:s29+$0x1070] =	vst v5;
	s29 =	smov.u32 s0  }
0x86: {  	s30 =	sadd.s32 $0x200, s30;
	[tilespmem:s29+$0x1000] =	vst v6;
	v6 =	vadd.s32 v0, v8;
	v5 =	vld [tilespmem:s29+$0x1060]  }
0x87: {  	[tilespmem:s29+$0x1010] =	vst v6;
	v4 =	vadd.s32 v0, v4;
	v63 =	vld [tilespmem:s29+$0x1070]  }
0x88: {  	[tilespmem:s29+$0x1020] =	vst v4;
	v2 =	vadd.s32 v0, v2  }
0x89: {  	[tilespmem:s29+$0x1030] =	vst v2;
	v1 =	vadd.s32 v0, v1  }
0x8a: {  	[tilespmem:s29+$0x1040] =	vst v1;
	v1 =	vadd.s32 v0, v3  }
0x8b: {  	s28 =	sadd.s32 $0x1, s28;
	[tilespmem:s29+$0x1050] =	vst v1;
	v1 =	vadd.s32 v0, v5  }
0x8c: {  	p0 =	sne.s32 s28, $0xB;
	[tilespmem:s29+$0x1060] =	vst v1;
	v1 =	vadd.s32 v0, v63  }
.Ltmp4:
0x8d: {  	[tilespmem:s29+$0x1070] =	vst v1;
	(pc) =	sbr.rel @p0 .LBB2_6-.Ltmp4, $4  }
0x8e: {  	_ =	swait.ge [sflag:s24], $0x8000  }
0x8f: {  	[sflag:s24] =	ssyncset.done $0x0  }
0x90: {  	[sflag:s24] =	ssyncadd.s32 $0xFFFF8000  }
0x91: {  	[tilespmem:s20], [sflag:$0x2] =	stream.indirect.gather [hbm4b:s5+s18], $0x8, s18, s18, $0xb8;
	[tilespmem:$0x12000] =	vst v63  }
0x92: {  	_ =	swait.ge [sflag:s21], $0x8000  }
0x93: {  	[sflag:s21] =	ssyncset.done $0x0  }
0x94: {  	s0 =	simm.s32 $0x0;
	[sflag:s21] =	ssyncadd.s32 $0xFFFF8000  }
0x95: {  	[hbm4b:s12+s0] =	stream.linear.scatter [tilespmem:s19], [sflag:$0x3], $0x8000, $0x38;
	[tilespmem:$0x12000] =	vst v63  }
0x96: {  	_ = 	snop  }
0x97: {  	[tilespmem:s0], [sflag:$0x5] =	stream.linear.gather [hbm4b:s13+s0], $0x1000, $0x38;
	[tilespmem:$0x12000] =	vst v63  }
0x98: {  	_ =	swait.ge [sflag:s17], $0x1000  }
0x99: {  	[sflag:s17] =	ssyncset.done $0x0  }
0x9a: {  	s26 =	simm.s32 $0x0;
	[sflag:s17] =	ssyncadd.s32 $0xFFFFF000  }
0x9b: {  	v3 =	vld [tilespmem:s26+$0x0]  }
0x9c: {  	v5 =	vld [tilespmem:s26+$0x10]  }
0x9d: {  	v4 =	vld [tilespmem:s26+$0x20]  }
0x9e: {  	v2 =	vld [tilespmem:s26+$0x30]  }
0x9f: {  	v1 =	vld [tilespmem:s26+$0x40]  }
0xa0: {  	v6 =	vadd.s32 v0, v3;
	v3 =	vld [tilespmem:s26+$0x50]  }
0xa1: {  	s28 =	simm.s32 $0x200;
	[tilespmem:s26+$0x0] =	vst v6;
	v6 =	vadd.s32 v0, v5;
	v5 =	vld [tilespmem:s26+$0x60]  }
.LBB2_12:
0xa2: {  	s0 =	sshra.s32 s28, $0x2;
	p0 =	sne.s32 s28, $0x3E00;
	[tilespmem:s26+$0x10] =	vst v6;
	v4 =	vadd.s32 v0, v4;
	v6 =	vld [tilespmem:s26+$0x70]  }
0xa3: {  	v7 =	vld [tilespmem:s0+$0x0];
	[tilespmem:s26+$0x20] =	vst v4;
	v2 =	vadd.s32 v0, v2  }
0xa4: {  	v8 =	vld [tilespmem:s0+$0x10];
	[tilespmem:s26+$0x30] =	vst v2;
	v1 =	vadd.s32 v0, v1  }
.Ltmp5:
0xa5: {  	v4 =	vld [tilespmem:s0+$0x20];
	[tilespmem:s26+$0x40] =	vst v1;
	v1 =	vadd.s32 v0, v3;
	(pc) =	sbr.rel @p0 .LBB2_12-.Ltmp5, $4  }
0xa6: {  	v2 =	vld [tilespmem:s0+$0x30];
	[tilespmem:s26+$0x50] =	vst v1;
	v3 =	vadd.s32 v0, v5  }
0xa7: {  	v1 =	vld [tilespmem:s0+$0x40];
	[tilespmem:s26+$0x60] =	vst v3;
	v5 =	vadd.s32 v0, v6  }
0xa8: {  	v6 =	vadd.s32 v0, v7;
	v3 =	vld [tilespmem:s0+$0x50];
	[tilespmem:s26+$0x70] =	vst v5;
	s26 =	smov.u32 s0  }
0xa9: {  	s28 =	sadd.s32 $0x200, s28;
	[tilespmem:s26+$0x0] =	vst v6;
	v6 =	vadd.s32 v0, v8;
	v5 =	vld [tilespmem:s26+$0x60]  }
0xaa: {  	[tilespmem:s26+$0x10] =	vst v6;
	v4 =	vadd.s32 v0, v4;
	v63 =	vld [tilespmem:s26+$0x70]  }
0xab: {  	[tilespmem:s26+$0x20] =	vst v4;
	v2 =	vadd.s32 v0, v2  }
0xac: {  	[tilespmem:s26+$0x30] =	vst v2;
	v1 =	vadd.s32 v0, v1  }
0xad: {  	[tilespmem:s26+$0x40] =	vst v1;
	v1 =	vadd.s32 v0, v3  }
0xae: {  	[tilespmem:s26+$0x50] =	vst v1;
	v1 =	vadd.s32 v0, v5  }
0xaf: {  	[tilespmem:s26+$0x60] =	vst v1;
	v1 =	vadd.s32 v0, v63  }
0xb0: {  	[tilespmem:s26+$0x70] =	vst v1  }
0xb1: {  	_ =	swait.ge [sflag:s22], $0x8000  }
0xb2: {  	[sflag:s22] =	ssyncset.done $0x0  }
0xb3: {  	[sflag:s22] =	ssyncadd.s32 $0xFFFF8000  }
0xb4: {  	[tilespmem:s19], [sflag:$0x1] =	stream.indirect.gather [hbm4b:s5+s18], $0x8, s3, s18, $0xb8;
	[tilespmem:$0x12000] =	vst v63  }
0xb5: {  	_ =	swait.ge [sflag:s23], $0x8000  }
0xb6: {  	[sflag:s23] =	ssyncset.done $0x0  }
0xb7: {  	[sflag:s23] =	ssyncadd.s32 $0xFFFF8000  }
0xb8: {  	[hbm4b:s14+s3] =	stream.linear.scatter [tilespmem:s20], [sflag:$0x4], $0x8000, $0x38;
	[tilespmem:$0x12000] =	vst v63  }
0xb9: {  	_ =	swait.ge [sflag:s21], $0x8000  }
0xba: {  	[sflag:s21] =	ssyncset.done $0x0  }
0xbb: {  	s25 =	sadd.s32 $0x1, s25;
	[sflag:s21] =	ssyncadd.s32 $0xFFFF8000  }
0xbc: {  	[hbm4b:s15+s3] =	stream.linear.scatter [tilespmem:s19], [sflag:$0x5], $0x8000, $0x38;
	[tilespmem:$0x12000] =	vst v63  }
0xbd: {  	p0 =	sne.s32 s25, s16;
	_ =	swait.ge [sflag:s17], $0x8000  }
.Ltmp6:
0xbe: {  	[sflag:s17] =	ssyncset.done $0x0;
	(pc) =	sbr.rel @p0 .LBB2_1-.Ltmp6, $4  }
0xbf: {  	[sflag:s17] =	ssyncadd.s32 $0xFFFF8000  }
0xc0: {  	_ =	swait.ge [sflag:s24], $0x8000  }
0xc1: {  	[sflag:s24] =	ssyncset.done $0x0  }
0xc2: {  	[sflag:s24] =	ssyncadd.s32 $0xFFFF8000  }
0xc3: {  	_ =	sfence.sel $0x180000  }
0xc4: {  	[bflag:$0x0] =	sbarrier.arrive $0xFFFF  }
0xc5: {  	_ =	strace $0x90000047  }
0xc6: {  	[bflag:$0x2] =	sbarrier.arrive $0xFFFF  }
0xc7: {  	p0 =	sne.s32 s1, $0x0;
	s0 =	rddreg [dreg:$0x2]  }
0xc8: {  	s0 =	sadd.s32 @!p0 $0x100000, s0  }
0xc9: {  	[sflag:s0] =	ssyncadd.tile.s32 @!p0 $0x1;
	_ =	shalt  }
.Lfunc_end2:
_tile_overlayer_lowered:
.L_overlay_start_2:
0xca: {  	(tag) =	ssettag $0x2  }
0xcb: {  	s0 =	rddreg [dreg:$0x0];
	s2 =	stileid.u32  }
0xcc: {  	s1 =	rddreg [dreg:$0x1];
	p0 =	sne.s32 s2, $0x0  }
0xcd: {  	s3 =	rddreg [dreg:$0x2];
	[bflag:$0x3] =	sbarrier.arrive $0xFFFF;
	s2 =	simm.s32 @!p0 $0x1C05  }
0xce: {  	[timem:s3], [sflag:s2] =	dma.local @!p0 [hbm:s0], s1  }
0xcf: {  	s0 =	simm.s32 @!p0 $0x5  }
0xd0: {  	_ =	swait.ge @!p0 [sflag:s0], s1  }
0xd1: {  	s1 =	ssub.s32 @!p0 $0x0, s1;
	[sflag:s0] =	ssyncset.done @!p0 $0x0  }
0xd2: {  	[sflag:s0] =	ssyncadd.s32 @!p0 s1  }
0xd3: {  	[bflag:$0x3] =	sbarrier.arrive $0xFFFF  }
0xd4: {  	_ =	shalt  }

// kernel: sparse-core-data-format-call.cloned.1.call-start
scs
called_computation_lowered:
.L_overlay_start_0:
0x0: {  	s2 =	sld [smem:$0x3FD9]  }
0x1: {  	s3 =	sld [smem:$0x3FFE];
	_ =	sdelay $0x1  }
0x2: {  	s1 =	srdreg.scid  }
0x3: {  	s0 =	sand.u32 $0x1, s1  }
0x4: {  	s18 =	sshll.u32 s0, $0xA;
	s2 =	sadd.s32 s3, s2  }
0x5: {  	s2 =	sadd.s32 s2, s18  }
0x6: {  	[smem:$0x3FC6] =	sst s2  }
0x7: {  	_ = 	snop  }
0x8: {  	s2 =	sld [smem:$0x3FD0];
	(tm) =	ssettm $0x1  }
0x9: {  	s19 =	sld [smem:$0x3FFB];
	_ =	sdelay $0x3  }
0xa: {  	_ =	strace s19  }
0xb: {  	s3 =	sld [smem:$0x3FFC];
	_ =	sdelay $0x3  }
0xc: {  	_ =	strace s3  }
0xd: {  	s3 =	sld [smem:$0x3FFD];
	_ =	sdelay $0x3  }
0xe: {  	_ =	strace s3  }
0xf: {  	_ =	strace $0x8FFFFFFF  }
0x10: {  	s20 =	sld [smem:$0x3FDB];
	_ =	sdelay $0x1  }
0x11: {  	s4 =	simm.s32 $_scs_section_size  }
0x12: {  	s5 =	simm.s32 $_size__tile_overlayer_lowered;
	s6 =	simm.s32 $_tile_overlayer_lowered  }
0x13: {  	s23 =	simm.s32 $0x1BFF;
	s22 =	sshll.u32 s6, $0x1;
	s3 =	sadd.s32 s4, s20  }
0x14: {  	s7 =	simm.s32 $0x0;
	s21 =	sshll.u32 s5, $0x1;
	s5 =	sadd.s32 s22, s3  }
0x15: {  	[timem:s7], [sflag:s23] =	dma.local [hbm:s5], s21  }
0x16: {  	_ =	swait.ge [sflag:s23], s21  }
0x17: {  	s4 =	ssub.s32 $0x0, s21;
	[sflag:s23] =	ssyncset.done $0x0  }
0x18: {  	[sflag:s23] =	ssyncadd.s32 s4;
	_ =	sdelay $0x1  }
0x19: {  	s24 =	simm.s32 $0x1B8B  }
0x1a: {  	_ =	swait.ge [sflag:s24], $0x1  }
0x1b: {  	[sflag:s24] =	ssyncset.done $0x0  }
0x1c: {  	s26 =	simm.s32 $0x1B8E;
	s25 =	sld [smem:$0x3FFE];
	[sflag:s24] =	ssyncadd.s32 $0xFFFFFFFF  }
0x1d: {  	s27 =	simm.s32 $execute0_lowered;
	[smem:$0x3FD2] =	sst s26  }
0x1e: {  	s5 =	sshll.u32 s27, $0x1;
	_ =	strace $0x80000049;
	[dreg:$0x1] =	wrdreg $0xFFFFFFFF  }
0x1f: {  	s28 =	simm.s32 $_size_execute0_lowered;
	s3 =	sadd.s32 s3, s5;
	[dreg:$0x0] =	wrdreg $0x0  }
0x20: {  	s5 =	sshll.u32 s28, $0x1;
	[dreg:$0x2] =	wrdreg s3  }
0x21: {  	[dreg:$0x3] =	wrdreg s5  }
0x22: {  	[dreg:$0x4] =	wrdreg $0xC0  }
0x23: {  	_ =	task [dreg:s7], $0x5FFFF  }
0x24: {  	[dreg:$0x1] =	wrdreg $0xFFFFFFFF  }
0x25: {  	[dreg:$0x0] =	wrdreg $0x60  }
0x26: {  	[dreg:$0x2] =	wrdreg s25  }
0x27: {  	[dreg:$0x3] =	wrdreg s2  }
0x28: {  	[dreg:$0x4] =	wrdreg $0x9  }
0x29: {  	_ =	task.clear_ibuf [dreg:s7], $0x5FFFF;
	_ =	strace $0x90000049  }
0x2a: {  	s29 =	simm.s32 $0x9;
	_ =	strace $0x8000004B  }
0x2b: {  	_ =	swait.ge [sflag:s29], $0x1  }
0x2c: {  	[sflag:s29] =	ssyncadd.s32 $0xFFFFFFFF  }
0x2d: {  	_ =	strace $0x9000004B  }
0x2e: {  	_ =	sfence  }
0x2f: {  	s30 =	sld [smem:$0x0];
	_ =	sdelay $0x2  }
0x30: {  	s31 =	sshll.u32 s1, $0xD;
	s1 =	sshrl.u32 s1, $0x2  }
0x31: {  	s3 =	sand.u32 $0x4000, s31;
	s1 =	sadd.s32 s1, s30  }
0x32: {  	s0 =	sor.u32 s3, s0;
	s1 =	sshll.u32 s1, $0x11  }
0x33: {  	s0 =	sor.u32 s1, s0  }
0x34: {  	s0 =	sadd.s32 $0x8F2B, s0  }
0x35: {  	[sflag:s0] =	ssyncadd.remote.s32 $0x1  }
0x36: {  	_ =	sfence.sel $0xFFFF  }
0x37: {  	[dreg:$0x0] =	wrdreg $0xFFFFFFFF;
	(pc) =	sbr.abs _section_cstart, $3  }
0x38: {  	[dreg:$0x1] =	wrdreg $0xFFFFFFFF  }
0x39: {  	_ =	task.clear_ibuf [dreg:s7], $0x2FFFF;
	_ =	strace $0x9FFFFFFF  }
0x3a: {  	(tm) =	ssettm $0x7FFFFFFF  }
0x3b: {  	_ =	shalt  }
tec
execute0_lowered:
.L_overlay_start_1:
0x0: {  	(tag) =	ssettag $0x1  }
0x1: {  	s0 =	srdreg.scid  }
0x2: {  	s1 =	sshll.u32 s0, $0x4  }
0x3: {  	s0 =	stileid.u32;
	s1 =	sand.u32 $0x10, s1  }
0x4: {  	s1 =	sor.u32 s0, s1  }
0x5: {  	s6 =	rddreg [dreg:$0x0];
	s4 =	simm.s32 $0x1;
	s2 =	sshll.u32 s1, $0x6  }
0x6: {  	s7 =	simm.s32 $0x2;
	s13 =	simm.s32 $0x0;
	s1 =	ssub.s32 $0x1000, s2  }
0x7: {  	s8 =	simm.s32 $0x2000;
	s9 =	simm.s32 $0x80000;
	s3 =	sand.u32 $0x7C0, s1  }
0x8: {  	s14 =	simm.s32 $0x0;
	s5 =	sshrl.u32 s1, $0xB;
	p0 =	sne.s32 s3, $0x0  }
.Ltmp0:
0x9: {  	s1 =	rddreg [dreg:$0x2];
	s4 =	simm.s32 @!p0 $0x0;
	(pc) =	sbr.rel .LBB1_1-.Ltmp0, $4  }
0xa: {  	s10 =	simm.s32 $0x0;
	s3 =	rddreg [dreg:$0x1];
	s5 =	sadd.s32 s4, s5  }
0xb: {  	_ =	strace $0x8000004A;
	s4 =	simm.s32 $0x1;
	s5 =	smul.u32 $0x19, s5  }
0xc: {  	s12 =	simm.s32 $0x0;
	s6 =	sadd.s32 $0xA00, s6;
	[sflag:s4] =	ssyncpa.u1 $0x0  }
0xd: {  	s11 =	smov.u32 s2;
	[sflag:s7] =	ssyncpa.u1 $0x0;
	s7 =	sadd.s32 $0x1, s5  }
.LBB1_7:
0xe: {  	s15 =	sadd.s32 $0x2, s10  }
0xf: {  	s13 =	sadd.s32 $0x800, s11;
	s17 =	smov.u32 s11;
	p1 =	sgt.s32 s15, $0x31  }
0x10: {  	s17 =	smov.u32 @p1 s13  }
0x11: {  	s15 =	simm.s32 @p1 $0x0;
	p1 =	sgt.s32 s17, $0xFFF  }
0x12: {  	s17 =	smov.u32 @p1 s2;
	p1 =	sne.s32 s12, s7  }
.Ltmp1:
0x13: {  	p0 =	slt.u32 s12, $0x2;
	(pc) =	sbr.rel @!p1 .LBB1_8-.Ltmp1, $4  }
0x14: {  	s16 =	simm.s32 @!p0 $0x2  }
0x15: {  	s14 =	smov.u32 s11;
	_ =	swait.ge @!p0 [sflag:s16], $0x4000  }
0x16: {  	s13 =	smov.u32 s10;
	[sflag:s16] =	ssyncset.done @!p0 $0x0;
	s10 =	smov.u32 s15  }
0x17: {  	s12 =	sadd.s32 $0x1, s12;
	[sflag:s16] =	ssyncadd.s32 @!p0 $0xFFFFC000;
	s11 =	smov.u32 s17  }
.LBB1_1:
0x18: {  	p0 =	sge.u32 s12, s5  }
0x19: {  	s15 =	sand.u32 @!p0 $0x1FFFFFF, s10  }
0x1a: {  	s16 =	smulhi.u32 @!p0 $0x4924925, s15;
	_ =	sdelay $0x1  }
0x1b: {  	s16 =	smul.u32 @!p0 $0x38, s16  }
0x1c: {  	s17 =	sxor.u32 @!p0 $0xFFFFFFFF, s12;
	s18 =	smul.u32 @!p0 $0x380, s11  }
0x1d: {  	s31 =	sadd.s32 $0xFFFFFFFF, s12;
	s17 =	sshll.u32 @!p0 s17, $0xE;
	s15 =	ssub.s32 @!p0 s15, s16  }
0x1e: {  	s16 =	sand.u32 @!p0 $0x4000, s17;
	s17 =	sadd.s32 @!p0 s6, s18;
	s15 =	sshll.u32 @!p0 s15, $0x4  }
0x1f: {  	s18 =	simm.s32 @!p0 $0x1C00;
	s15 =	sadd.s32 @!p0 s15, s17;
	s17 =	simm.s32 @!p0 $0x100  }
0x20: {  	[tilespmem:s16], [sflag:$0x1] =	stream.strided.gather @!p0 [hbm4b:s15+s17], $0x4000, s18, s17, $0x38;
	[tilespmem:$0x10000] =	vst v63  }
0x21: {  	p0 =	sge.u32 s31, s5  }
.Ltmp2:
0x22: {  	_ = 	snop;
	(pc) =	sbr.rel @p0 .LBB1_7-.Ltmp2, $1  }
0x23: {  	_ =	sdelay $0x3  }
0x24: {  	_ =	swait.ge [sflag:s4], $0x4000;
	s15 =	sshll.u32 s12, $0xE  }
0x25: {  	[sflag:s4] =	ssyncset.done $0x0;
	s16 =	sand.u32 $0x4000, s15  }
0x26: {  	s17 =	simm.s32 $0x0;
	[sflag:s4] =	ssyncadd.s32 $0xFFFFC000;
	s15 =	sor.u32 $0x8000, s16  }
.LBB1_3:
0x27: {  	s18 =	sshll.u32 s17, $0x8  }
0x28: {  	s18 =	sand.u32 $0x3FFFFF00, s18  }
0x29: {  	s19 =	sshll.u32 s17, $0x7;
	s18 =	sadd.s32 s18, s16  }
0x2a: {  	s19 =	sand.u32 $0x3FFFFF80, s19;
	v0 =	vmov s18  }
0x2b: {  	s19 =	sadd.s32 s19, s15  }
0x2c: {  	p0 =	por $0x1, $0x1;
	v1 =	vmov s19;
	s18 =	simm.s32 $0x0  }
.LBB1_4:
0x2d: {  	s19 =	sshll.u32 s18, $0x7  }
0x2e: {  	s19 =	sand.u32 $0x3FFFFF80, s19  }
0x2f: {  	v2 =	vld.idx.msk [tilespmem:v0+s19+$0x0 ss:$0x1], $0xffff  }
0x30: {  	v3 =	vld.idx.msk [tilespmem:v0+s19+$0x10 ss:$0x1], $0xffff  }
0x31: {  	v4 =	vld.idx.msk [tilespmem:v0+s19+$0x20 ss:$0x1], $0xffff  }
0x32: {  	s31 =	sshll.u32 s18, $0xD;
	v5 =	vld.idx.msk [tilespmem:v0+s19+$0x30 ss:$0x1], $0xffff  }
0x33: {  	s18 =	sand.u32 $0x3FFFE000, s31;
	v6 =	vld.idx.msk [tilespmem:v0+s19+$0x40 ss:$0x1], $0xffff  }
0x34: {  	v63 =	vld.idx.msk [tilespmem:v0+s19+$0x70 ss:$0x1], $0xffff;
	[tilespmem:v1+s18+$0x0 ss:$0x1] =	vst.idx.msk $0xffff, v2  }
0x35: {  	v2 =	vld.idx.msk [tilespmem:v0+s19+$0x50 ss:$0x1], $0xffff;
	[tilespmem:v1+s18+$0x10 ss:$0x1] =	vst.idx.msk $0xffff, v3  }
0x36: {  	p1 =	por p0, p0;
	v3 =	vld.idx.msk [tilespmem:v0+s19+$0x60 ss:$0x1], $0xffff;
	[tilespmem:v1+s18+$0x20 ss:$0x1] =	vst.idx.msk $0xffff, v4  }
.Ltmp3:
0x37: {  	[tilespmem:v1+s18+$0x30 ss:$0x1] =	vst.idx.msk $0xffff, v5;
	(pc) =	sbr.rel @p1 .LBB1_4-.Ltmp3, $4  }
0x38: {  	[tilespmem:v1+s18+$0x40 ss:$0x1] =	vst.idx.msk $0xffff, v6  }
0x39: {  	[tilespmem:v1+s18+$0x70 ss:$0x1] =	vst.idx.msk $0xffff, v63  }
0x3a: {  	[tilespmem:v1+s18+$0x50 ss:$0x1] =	vst.idx.msk $0xffff, v2  }
0x3b: {  	p0 =	por $0x0, $0x0;
	[tilespmem:v1+s18+$0x60 ss:$0x1] =	vst.idx.msk $0xffff, v3;
	s18 =	simm.s32 $0x1  }
0x3c: {  	s17 =	sadd.s32 $0x1, s17  }
0x3d: {  	p0 =	sne.s32 s17, $0x40  }
.Ltmp4:
0x3e: {  	_ = 	snop;
	(pc) =	sbr.rel @p0 .LBB1_3-.Ltmp4, $1  }
0x3f: {  	_ =	sdelay $0x3  }
.Ltmp5:
0x40: {  	s14 =	sshll.u32 s14, $0x4;
	(pc) =	sbr.rel .LBB1_7-.Ltmp5, $4  }
0x41: {  	s14 =	sand.u32 $0xFFF0, s14  }
0x42: {  	s13 =	sshll.u32 s13, $0x10;
	s14 =	sadd.s32 s3, s14  }
0x43: {  	s13 =	sadd.s32 s13, s14  }
0x44: {  	[hbm4b:s13+s8] =	stream.strided.scatter [tilespmem:s15], [sflag:$0x2], $0x4000, s9, s8, $0x38;
	[tilespmem:$0x10000] =	vst v63  }
.LBB1_8:
0x45: {  	_ =	sfence.sel $0x180000  }
0x46: {  	s2 =	simm.s32 $0x1;
	[bflag:$0x0] =	sbarrier.arrive $0xFFFF  }
0x47: {  	s31 =	simm.s32 $0x2;
	[sflag:s2] =	ssyncpa.u1 $0x1  }
0x48: {  	[sflag:s31] =	ssyncpa.u1 $0x1  }
0x49: {  	p0 =	sne.s32 s0, $0x0;
	_ =	strace $0x9000004A  }
0x4a: {  	s0 =	sadd.s32 @!p0 $0x100000, s1;
	[bflag:$0x2] =	sbarrier.arrive $0xFFFF  }
0x4b: {  	[sflag:s0] =	ssyncadd.tile.s32 @!p0 $0x1;
	_ =	shalt  }
.Lfunc_end1:
_tile_overlayer_lowered:
.L_overlay_start_2:
0x4c: {  	(tag) =	ssettag $0x2  }
0x4d: {  	s0 =	rddreg [dreg:$0x0];
	s2 =	stileid.u32  }
0x4e: {  	s1 =	rddreg [dreg:$0x1];
	p0 =	sne.s32 s2, $0x0  }
0x4f: {  	s3 =	rddreg [dreg:$0x2];
	[bflag:$0x3] =	sbarrier.arrive $0xFFFF;
	s2 =	simm.s32 @!p0 $0x1C01  }
0x50: {  	[timem:s3], [sflag:s2] =	dma.local @!p0 [hbm:s0], s1  }
0x51: {  	s0 =	simm.s32 @!p0 $0x1  }
0x52: {  	_ =	swait.ge @!p0 [sflag:s0], s1  }
0x53: {  	s1 =	ssub.s32 @!p0 $0x0, s1;
	[sflag:s0] =	ssyncset.done @!p0 $0x0  }
0x54: {  	[sflag:s0] =	ssyncadd.s32 @!p0 s1  }
0x55: {  	[bflag:$0x3] =	sbarrier.arrive $0xFFFF  }
0x56: {  	_ =	shalt  }

</sc_bundles>
